<compile_context>
chip_gen: v7x
topology: tpu7x:2x2x1
jax: 0.10.2.dev20260603
libtpu: 0.0.44.dev20260713+nightly
codegen_flags: <defaults>
</compile_context>

<pallas_src>
import functools

import jax
import jax.numpy as jnp
from jax import lax
from jax.experimental import pallas as pl
from jax.experimental.pallas import tpu as pltpu
from jax.experimental.pallas import tpu_sc as plsc

NUM_USER = 16384
NUM_ITEM = 4096
DIM_E = 64
TOPK = 10
N_LAYERS = 2
LAMBDA_COEFF = 0.9

ROWS_B1 = 256
ROWS_B2 = 256


def _proj_norm_body(v_ref, wv_ref, bv_ref, t_ref, wt_ref, bt_ref, xi_ref, xt_ref):
    fi = jnp.dot(v_ref[:], wv_ref[:], preferred_element_type=jnp.float32) + bv_ref[:]
    ft = jnp.dot(t_ref[:], wt_ref[:], preferred_element_type=jnp.float32) + bt_ref[:]
    xi_ref[:] = fi / jnp.sqrt(jnp.sum(fi * fi, axis=1, keepdims=True))
    xt_ref[:] = ft / jnp.sqrt(jnp.sum(ft * ft, axis=1, keepdims=True))


def _projected_normalized(v_feat, t_feat, Wv, bv, Wt, bt):
    n = v_feat.shape[0]
    rb = 512
    grid = (n // rb,)
    return pl.pallas_call(
        _proj_norm_body,
        grid=grid,
        in_specs=[
            pl.BlockSpec((rb, v_feat.shape[1]), lambda i: (i, 0)),
            pl.BlockSpec((v_feat.shape[1], DIM_E), lambda i: (0, 0)),
            pl.BlockSpec((1, DIM_E), lambda i: (0, 0)),
            pl.BlockSpec((rb, t_feat.shape[1]), lambda i: (i, 0)),
            pl.BlockSpec((t_feat.shape[1], DIM_E), lambda i: (0, 0)),
            pl.BlockSpec((1, DIM_E), lambda i: (0, 0)),
        ],
        out_specs=[
            pl.BlockSpec((rb, DIM_E), lambda i: (i, 0)),
            pl.BlockSpec((rb, DIM_E), lambda i: (i, 0)),
        ],
        out_shape=[
            jax.ShapeDtypeStruct((n, DIM_E), jnp.float32),
            jax.ShapeDtypeStruct((n, DIM_E), jnp.float32),
        ],
    )(v_feat, Wv, bv.reshape(1, DIM_E), t_feat, Wt, bt.reshape(1, DIM_E))


def _row_topk_threshold(sim):
    cur = sim
    for _ in range(TOPK - 1):
        m = jnp.max(cur, axis=1, keepdims=True)
        cur = jnp.where(cur >= m, -jnp.inf, cur)
    return jnp.max(cur, axis=1, keepdims=True)


def _knn_w_body(wvec_ref, xi_blk, xi_all, xt_blk, xt_all, w_out, rowsum_out):
    si = jax.lax.dot_general(xi_blk[:], xi_all[:], (((1,), (1,)), ((), ())),
                             preferred_element_type=jnp.float32)
    st = jax.lax.dot_general(xt_blk[:], xt_all[:], (((1,), (1,)), ((), ())),
                             preferred_element_type=jnp.float32)
    thr_i = _row_topk_threshold(si)
    thr_t = _row_topk_threshold(st)
    w0 = wvec_ref[0, 0]
    w1 = wvec_ref[0, 1]
    w = w0 * jnp.where(si >= thr_i, si, 0.0) + w1 * jnp.where(st >= thr_t, st, 0.0)
    w_out[:] = w.astype(jnp.bfloat16)
    rowsum_out[0, 0, :] = jnp.sum(w, axis=1)


def _knn_w(xi, xt, wvec):
    n = xi.shape[0]
    grid = (n // ROWS_B1,)
    return pl.pallas_call(
        _knn_w_body,
        grid=grid,
        in_specs=[
            pl.BlockSpec(memory_space=pltpu.SMEM),
            pl.BlockSpec((ROWS_B1, DIM_E), lambda i: (i, 0)),
            pl.BlockSpec((n, DIM_E), lambda i: (0, 0)),
            pl.BlockSpec((ROWS_B1, DIM_E), lambda i: (i, 0)),
            pl.BlockSpec((n, DIM_E), lambda i: (0, 0)),
        ],
        out_specs=[
            pl.BlockSpec((ROWS_B1, n), lambda i: (i, 0)),
            pl.BlockSpec((1, 1, ROWS_B1), lambda i: (i, 0, 0)),
        ],
        out_shape=[
            jax.ShapeDtypeStruct((n, n), jnp.bfloat16),
            jax.ShapeDtypeStruct((n // ROWS_B1, 1, ROWS_B1), jnp.float32),
        ],
    )(wvec.reshape(1, 2), xi, xi, xt, xt)


def _item_h_body(ab_ref, dl_blk, w_blk, io_blk, to_blk, es_ref, e_ref, h_out):
    a = ab_ref[0, 0]
    b = ab_ref[0, 1]
    learned = jnp.dot(w_blk[:], es_ref[:], preferred_element_type=jnp.float32)
    learned = learned * dl_blk[0, 0, :][:, None]
    orig = a * io_blk[:] + b * to_blk[:]
    h_out[:] = learned + jnp.dot(orig, e_ref[:], preferred_element_type=jnp.float32)


def _item_h(w, dl, image_original_adj, text_original_adj, es, item_emb, ab):
    n = w.shape[0]
    grid = (n // ROWS_B2,)
    return pl.pallas_call(
        _item_h_body,
        grid=grid,
        in_specs=[
            pl.BlockSpec(memory_space=pltpu.SMEM),
            pl.BlockSpec((1, 1, ROWS_B2), lambda i: (i, 0, 0)),
            pl.BlockSpec((ROWS_B2, n), lambda i: (i, 0)),
            pl.BlockSpec((ROWS_B2, n), lambda i: (i, 0)),
            pl.BlockSpec((ROWS_B2, n), lambda i: (i, 0)),
            pl.BlockSpec((n, DIM_E), lambda i: (0, 0)),
            pl.BlockSpec((n, DIM_E), lambda i: (0, 0)),
        ],
        out_specs=pl.BlockSpec((ROWS_B2, DIM_E), lambda i: (i, 0)),
        out_shape=jax.ShapeDtypeStruct((n, DIM_E), jnp.float32),
    )(ab.reshape(1, 2), dl.reshape(n // ROWS_B2, 1, ROWS_B2), w,
      image_original_adj, text_original_adj, es.astype(jnp.bfloat16), item_emb)


_SC_CORES = 2
_SC_SUBCORES = 16
_EDGE_CHUNK = 128


_NSLOT = 4
_SEG = 32


def _gcn_layer_sc(s_scaled, row2d, col2d, zeros_stripe):
    n_nodes, d = s_scaled.shape
    n_edges = row2d.size
    n_workers = _SC_CORES * _SC_SUBCORES
    ew = n_edges // n_workers
    nchunk = ew // _EDGE_CHUNK
    nseg = nchunk // _SEG
    ngroup = _SEG // _NSLOT
    stripe = n_nodes // _SC_SUBCORES
    mesh = plsc.VectorSubcoreMesh(core_axis_name="c", subcore_axis_name="s")

    @functools.partial(
        pl.kernel,
        out_type=jax.ShapeDtypeStruct((_SC_CORES, n_nodes, d), jnp.float32),
        mesh=mesh,
        scratch_types=[
            pltpu.VMEM((_SEG, _EDGE_CHUNK), jnp.int32),
            pltpu.VMEM((_SEG, _EDGE_CHUNK), jnp.int32),
            [pltpu.VMEM((_EDGE_CHUNK, d), jnp.float32)] * _NSLOT,
            [pltpu.SemaphoreType.DMA] * _NSLOT,
            [pltpu.SemaphoreType.DMA] * _NSLOT,
            pltpu.VMEM_SHARED((n_nodes, d), jnp.float32),
        ],
        compiler_params=pltpu.CompilerParams(use_tc_tiling_on_sc=False),
    )
    def layer(s_hbm, row_hbm, col_hbm, z_hbm, out_hbm,
              idx_r, idx_c, bufs, gsems, ssems, acc):
        cid = lax.axis_index("c")
        sid = lax.axis_index("s")
        pltpu.sync_copy(z_hbm, acc.at[pl.ds(sid * stripe, stripe)])
        plsc.subcore_barrier()

        wid = cid * _SC_SUBCORES + sid
        c0 = wid * nchunk

        def segment(g, carry):
            pltpu.sync_copy(row_hbm.at[pl.ds(c0 + g * _SEG, _SEG)], idx_r)
            pltpu.sync_copy(col_hbm.at[pl.ds(c0 + g * _SEG, _SEG)], idx_c)

            def group(j, carry2):
                k0 = j * _NSLOT
                for s in range(_NSLOT):
                    @pl.when(j > 0)
                    def _():
                        pltpu.make_async_copy(
                            bufs[s], acc.at[idx_c.at[k0 + s]],
                            ssems[s]).wait()
                    pltpu.async_copy(s_hbm.at[idx_r.at[k0 + s]],
                                     bufs[s], gsems[s])
                for s in range(_NSLOT):
                    pltpu.make_async_copy(
                        s_hbm.at[idx_r.at[k0 + s]], bufs[s], gsems[s]).wait()
                    pltpu.async_copy(bufs[s], acc.at[idx_c.at[k0 + s]],
                                     ssems[s], add=True)
                return carry2

            lax.fori_loop(0, ngroup, group, 0)
            for s in range(_NSLOT):
                pltpu.make_async_copy(
                    bufs[s], acc.at[idx_c.at[_SEG - _NSLOT + s]],
                    ssems[s]).wait()
            return carry

        lax.fori_loop(0, nseg, segment, 0)
        plsc.subcore_barrier()
        r0 = sid * stripe
        pltpu.sync_copy(acc.at[pl.ds(r0, stripe)],
                        out_hbm.at[cid, pl.ds(r0, stripe)])

    return layer(s_scaled, row2d, col2d, zeros_stripe)


_DEG_W = 16


def _deg_sc(row2d, n_nodes):
    n_edges = row2d.size
    n_workers = _SC_CORES * _SC_SUBCORES
    nchunk = n_edges // n_workers // _EDGE_CHUNK
    stripe = n_nodes // _SC_SUBCORES
    mesh = plsc.VectorSubcoreMesh(core_axis_name="c", subcore_axis_name="s")

    @functools.partial(
        pl.kernel,
        out_type=jax.ShapeDtypeStruct((_SC_CORES, n_nodes, _DEG_W), jnp.float32),
        mesh=mesh,
        scratch_types=[
            pltpu.VMEM((nchunk, _EDGE_CHUNK), jnp.int32),
            pltpu.VMEM((_EDGE_CHUNK, _DEG_W), jnp.float32),
            pltpu.VMEM((_EDGE_CHUNK, _DEG_W), jnp.float32),
            pltpu.VMEM_SHARED((n_nodes, _DEG_W), jnp.float32),
            pltpu.SemaphoreType.DMA,
        ],
        compiler_params=pltpu.CompilerParams(use_tc_tiling_on_sc=False),
    )
    def deg_kernel(row_hbm, out_hbm, idx_r, ones_buf, zer_buf, acc_view, sem):
        cid = lax.axis_index("c")
        sid = lax.axis_index("s")
        ones16 = jnp.ones((_DEG_W,), jnp.float32)
        zero16 = jnp.zeros((_DEG_W,), jnp.float32)

        def fill(i, carry):
            ones_buf[i, :] = ones16
            zer_buf[i, :] = zero16
            return carry

        lax.fori_loop(0, _EDGE_CHUNK, fill, 0)
        for t in range(stripe // _EDGE_CHUNK):
            pltpu.sync_copy(zer_buf,
                            acc_view.at[pl.ds(sid * stripe + t * _EDGE_CHUNK,
                                              _EDGE_CHUNK)])
        plsc.subcore_barrier()
        wid = cid * _SC_SUBCORES + sid
        pltpu.sync_copy(row_hbm.at[pl.ds(wid * nchunk, nchunk)], idx_r)

        def chunk(k, carry):
            pltpu.async_copy(ones_buf, acc_view.at[idx_r.at[k]], sem, add=True)
            return carry

        lax.fori_loop(0, nchunk, chunk, 0)

        def drain(k, carry):
            pltpu.make_async_copy(ones_buf, acc_view.at[idx_r.at[0]],
                                  sem).wait()
            return carry

        lax.fori_loop(0, nchunk, drain, 0)
        plsc.subcore_barrier()
        r0 = sid * stripe
        pltpu.sync_copy(acc_view.at[pl.ds(r0, stripe)],
                        out_hbm.at[cid, pl.ds(r0, stripe)])

    return deg_kernel(row2d)


def kernel(v_feat, t_feat, Wv, bv, Wt, bt, modal_weight, user_emb, item_emb,
           edge_index, image_original_adj, text_original_adj, build_item_graph):
    weight = jax.nn.softmax(modal_weight, axis=0)

    ego = jnp.concatenate([user_emb, item_emb], axis=0)
    n_nodes = ego.shape[0]
    row, col = edge_index[0], edge_index[1]
    row2d = row.reshape(-1, _EDGE_CHUNK)
    col2d = col.reshape(-1, _EDGE_CHUNK)
    degp = _deg_sc(row2d, n_nodes)
    deg = degp[0, :, 0] + degp[1, :, 0]
    dinv = jax.lax.rsqrt(deg)
    dinv = jnp.where(jnp.isinf(dinv), 0.0, dinv)[:, None]
    zeros_stripe = jnp.zeros((n_nodes // _SC_SUBCORES, DIM_E), jnp.float32)
    acc = ego
    cur = ego
    for _ in range(N_LAYERS):
        p = _gcn_layer_sc(dinv * cur, row2d, col2d, zeros_stripe)
        cur = dinv * (p[0] + p[1])
        acc = acc + cur
    all_e = acc / (N_LAYERS + 1)

    xi, xt = _projected_normalized(v_feat, t_feat, Wv, bv, Wt, bt)
    w, rowsum3 = _knn_w(xi, xt, weight)
    rowsum = rowsum3.reshape(-1)
    dl = jax.lax.rsqrt(rowsum)
    dl = jnp.where(jnp.isinf(dl), 0.0, dl)
    es = (1.0 - LAMBDA_COEFF) * dl[:, None] * item_emb
    ab = LAMBDA_COEFF * weight
    h = _item_h(w, dl, image_original_adj, text_original_adj, es, item_emb, ab)
    u_g = all_e[:NUM_USER]
    i_g = all_e[NUM_USER:]
    h_norm = h / jnp.clip(jnp.linalg.norm(h, axis=1, keepdims=True), 1e-12, None)
    i_g = i_g + h_norm
    return jnp.concatenate([u_g, i_g], axis=0)

# --- scband reference (transcript-rebuilt; emitter-appended) ---
"""Pipeline reference for scband-lattice-42932493091123 (READ-ONLY COPY).

The authoritative reference and input builder live on the scoring server;
editing this copy changes nothing except your own understanding.
"""

import jax, jax.numpy as jnp
import numpy as np

NUM_USER = 16384
NUM_ITEM = 4096
DIM_E = 64
FEAT_EMBED_DIM = 64
V_DIM = 1024
T_DIM = 384
TOPK = 10
N_LAYERS = 2
MM_LAYERS = 1
LAMBDA_COEFF = 0.9
N_INTER = 262144


def build_sim(context):
    cn = context / jnp.linalg.norm(context, axis=-1, keepdims=True)
    return cn @ cn.T


def build_knn_neighbourhood(adj, topk):
    knn_val, knn_ind = jax.lax.top_k(adj, topk)
    n = adj.shape[0]
    out = jnp.zeros_like(adj)
    out = out.at[jnp.arange(n)[:, None], knn_ind].set(knn_val)
    return out


def compute_normalized_laplacian(adj):
    rowsum = jnp.sum(adj, -1)
    d_inv_sqrt = jnp.power(rowsum, -0.5)
    d_inv_sqrt = jnp.where(jnp.isinf(d_inv_sqrt), 0.0, d_inv_sqrt)
    return d_inv_sqrt[:, None] * adj * d_inv_sqrt[None, :]


def setup_inputs(seed: int = 0):
    key = jax.random.key(seed)
    ks = jax.random.split(key, 10)
    v_feat = jax.random.normal(ks[0], (NUM_ITEM, V_DIM), dtype=jnp.float32)
    t_feat = jax.random.normal(ks[1], (NUM_ITEM, T_DIM), dtype=jnp.float32)
    Wv = jax.random.normal(ks[2], (V_DIM, FEAT_EMBED_DIM), dtype=jnp.float32) / np.sqrt(V_DIM)
    bv = jnp.zeros((FEAT_EMBED_DIM,), dtype=jnp.float32)
    Wt = jax.random.normal(ks[3], (T_DIM, FEAT_EMBED_DIM), dtype=jnp.float32) / np.sqrt(T_DIM)
    bt = jnp.zeros((FEAT_EMBED_DIM,), dtype=jnp.float32)
    user_emb = jax.random.normal(ks[4], (NUM_USER, DIM_E), dtype=jnp.float32) * 0.1
    item_emb = jax.random.normal(ks[5], (NUM_ITEM, DIM_E), dtype=jnp.float32) * 0.1
    users = jax.random.randint(ks[6], (N_INTER,), 0, NUM_USER)
    items = jax.random.randint(ks[7], (N_INTER,), NUM_USER, NUM_USER + NUM_ITEM)
    src = jnp.concatenate([users, items])
    dst = jnp.concatenate([items, users])
    edge_index = jnp.stack([src, dst]).astype(jnp.int32)
    modal_weight = jnp.array([0.5, 0.5], dtype=jnp.float32)
    image_original_adj = compute_normalized_laplacian(build_knn_neighbourhood(build_sim(v_feat), TOPK))
    text_original_adj = compute_normalized_laplacian(build_knn_neighbourhood(build_sim(t_feat), TOPK))
    return {
        'v_feat': v_feat, 't_feat': t_feat, 'Wv': Wv, 'bv': bv, 'Wt': Wt, 'bt': bt,
        'modal_weight': modal_weight, 'user_emb': user_emb, 'item_emb': item_emb,
        'edge_index': edge_index, 'image_original_adj': image_original_adj,
        'text_original_adj': text_original_adj, 'build_item_graph': True,
    }


def reference(v_feat, t_feat, Wv, bv, Wt, bt, modal_weight, user_emb, item_emb,
              edge_index, image_original_adj, text_original_adj, build_item_graph=True):
    image_feats = v_feat @ Wv + bv
    text_feats = t_feat @ Wt + bt
    weight = jax.nn.softmax(modal_weight, axis=0)
    image_adj = build_knn_neighbourhood(build_sim(image_feats), TOPK)
    text_adj = build_knn_neighbourhood(build_sim(text_feats), TOPK)
    learned_adj = compute_normalized_laplacian(weight[0] * image_adj + weight[1] * text_adj)
    original_adj = weight[0] * image_original_adj + weight[1] * text_original_adj
    item_adj = (1.0 - LAMBDA_COEFF) * learned_adj + LAMBDA_COEFF * original_adj
    h = item_emb
    for _ in range(MM_LAYERS):
        h = item_adj @ h
    ego = jnp.concatenate([user_emb, item_emb], axis=0)
    n_nodes = ego.shape[0]
    row, col = edge_index[0], edge_index[1]
    deg = jnp.zeros((n_nodes,), dtype=ego.dtype).at[row].add(1.0)
    deg_inv_sqrt = jnp.power(deg, -0.5)
    norm = deg_inv_sqrt[row] * deg_inv_sqrt[col]
    all_emb = [ego]
    for _ in range(N_LAYERS):
        msg = norm[:, None] * ego[row]
        ego = jax.ops.segment_sum(msg, col, num_segments=n_nodes)
        all_emb.append(ego)
    all_e = jnp.stack(all_emb, axis=1).mean(axis=1)
    u_g = all_e[:NUM_USER]
    i_g = all_e[NUM_USER:]
    h_norm = h / jnp.clip(jnp.linalg.norm(h, axis=1, keepdims=True), 1e-12, None)
    i_g = i_g + h_norm
    return jnp.concatenate([u_g, i_g], axis=0)

if __name__ == "__main__":
    import jax
    _d = setup_inputs()
    print(jax.jit(kernel)(*tuple(_d.values())))

</pallas_src>

<mosaic_0001>
#map = affine_map<(d0, d1) -> (0, 0)>
#map1 = affine_map<(d0, d1) -> (0, 0, 0)>
module attributes {stable_mosaic.version = 14 : i64} {
  func.func @layer(%arg0: i32, %arg1: i32, %arg2: memref<20480x64xf32, #tpu.memory_space<hbm>>, %arg3: memref<4096x128xi32, #tpu.memory_space<hbm>>, %arg4: memref<4096x128xi32, #tpu.memory_space<hbm>>, %arg5: memref<1280x64xf32, #tpu.memory_space<hbm>>, %arg6: memref<2x20480x64xf32, #tpu.memory_space<hbm>>, %arg7: memref<32x128xi32, #tpu.memory_space<vmem>>, %arg8: memref<32x128xi32, #tpu.memory_space<vmem>>, %arg9: memref<128x64xf32, #tpu.memory_space<vmem>>, %arg10: memref<128x64xf32, #tpu.memory_space<vmem>>, %arg11: memref<128x64xf32, #tpu.memory_space<vmem>>, %arg12: memref<128x64xf32, #tpu.memory_space<vmem>>, %arg13: memref<!tpu.dma_semaphore, #tpu.memory_space<semaphore_mem>>, %arg14: memref<!tpu.dma_semaphore, #tpu.memory_space<semaphore_mem>>, %arg15: memref<!tpu.dma_semaphore, #tpu.memory_space<semaphore_mem>>, %arg16: memref<!tpu.dma_semaphore, #tpu.memory_space<semaphore_mem>>, %arg17: memref<!tpu.dma_semaphore, #tpu.memory_space<semaphore_mem>>, %arg18: memref<!tpu.dma_semaphore, #tpu.memory_space<semaphore_mem>>, %arg19: memref<!tpu.dma_semaphore, #tpu.memory_space<semaphore_mem>>, %arg20: memref<!tpu.dma_semaphore, #tpu.memory_space<semaphore_mem>>, %arg21: memref<20480x64xf32, #tpu.memory_space<vmem_shared>>) attributes {dimension_semantics = [#tpu.dimension_semantics<core_parallel>, #tpu.dimension_semantics<subcore_parallel>], iteration_bounds = array<i64: 2, 16>, scalar_prefetch = 0 : i64, scratch_operands = 15 : i64, tpu.core_type = #tpu.core_type<sc_vector_subcore>, window_params = [{transform_indices = #map}, {transform_indices = #map}, {transform_indices = #map}, {transform_indices = #map}, {transform_indices = #map1}]} {
    %mul3A = arith.constant 1280 : i32
    %mul3A_0 = arith.muli %arg1, %mul3A : i32
    "tpu.region"() ({
      %run_scoped3A = tpu.sem_alloc : memref<!tpu.dma_semaphore, #tpu.memory_space<semaphore_mem>>
      %dma_start3A = arith.constant 0 : i32
      %dma_start3A_13 = tpu.memref_slice %arg21[%mul3A_0, %dma_start3A] : memref<20480x64xf32, #tpu.memory_space<vmem_shared>> -> memref<1280x64xf32, #tpu.memory_space<vmem_shared>>
      tpu.enqueue_dma source(%arg5 : memref<1280x64xf32, #tpu.memory_space<hbm>>) target(%dma_start3A_13 : memref<1280x64xf32, #tpu.memory_space<vmem_shared>>) target_semaphore(%run_scoped3A : memref<!tpu.dma_semaphore, #tpu.memory_space<semaphore_mem>>)
      %dma_wait3A = arith.constant 0 : i32
      %dma_wait3A_14 = tpu.memref_slice %arg21[%mul3A_0, %dma_wait3A] : memref<20480x64xf32, #tpu.memory_space<vmem_shared>> -> memref<1280x64xf32, #tpu.memory_space<vmem_shared>>
      tpu.wait_dma2 semaphore(%run_scoped3A : memref<!tpu.dma_semaphore, #tpu.memory_space<semaphore_mem>>) src(%arg5 : memref<1280x64xf32, #tpu.memory_space<hbm>>) dst(%dma_wait3A_14 : memref<1280x64xf32, #tpu.memory_space<vmem_shared>>)
      tpu.yield
    }) : () -> ()
    %barrier3A = arith.constant 0 : index
    tpu.barrier barrier_id(%barrier3A)
    %mul3A_1 = arith.constant 16 : i32
    %mul3A_2 = arith.muli %arg0, %mul3A_1 : i32
    %add3A = arith.addi %mul3A_2, %arg1 : i32
    %mul3A_3 = arith.constant 128 : i32
    %mul3A_4 = arith.muli %add3A, %mul3A_3 : i32
    %scan3A = arith.constant 0 : i32
    %scan3A_5 = arith.constant 0 : i32
    %scan3A_6 = arith.constant 4 : i32
    %scan3A_7 = arith.addi %scan3A_5, %scan3A_6 : i32
    %scan3A_8 = arith.constant 1 : i32
    scf.for %scan3A_13 = %scan3A_5 to %scan3A_7 step %scan3A_8  : i32 {
      %mul3A_14 = arith.constant 32 : i32
      %mul3A_15 = arith.muli %scan3A_13, %mul3A_14 : i32
      %add3A_16 = arith.addi %mul3A_4, %mul3A_15 : i32
      "tpu.region"() ({
        %run_scoped3A = tpu.sem_alloc : memref<!tpu.dma_semaphore, #tpu.memory_space<semaphore_mem>>
        %dma_start3A = arith.constant 0 : i32
        %dma_start3A_53 = tpu.memref_slice %arg3[%add3A_16, %dma_start3A] : memref<4096x128xi32, #tpu.memory_space<hbm>> -> memref<32x128xi32, #tpu.memory_space<hbm>>
        %dma_start3A_54 = arith.constant 0 : i32
        %dma_start3A_55 = tpu.memref_slice %arg3[%add3A_16, %dma_start3A_54] : memref<4096x128xi32, #tpu.memory_space<hbm>> -> memref<32x128xi32, #tpu.memory_space<hbm>>
        tpu.enqueue_dma source(%dma_start3A_55 : memref<32x128xi32, #tpu.memory_space<hbm>>) target(%arg7 : memref<32x128xi32, #tpu.memory_space<vmem>>) target_semaphore(%run_scoped3A : memref<!tpu.dma_semaphore, #tpu.memory_space<semaphore_mem>>)
        %dma_wait3A_56 = arith.constant 0 : i32
        %dma_wait3A_57 = tpu.memref_slice %arg3[%add3A_16, %dma_wait3A_56] : memref<4096x128xi32, #tpu.memory_space<hbm>> -> memref<32x128xi32, #tpu.memory_space<hbm>>
        %dma_wait3A_58 = arith.constant 0 : i32
        %dma_wait3A_59 = tpu.memref_slice %arg3[%add3A_16, %dma_wait3A_58] : memref<4096x128xi32, #tpu.memory_space<hbm>> -> memref<32x128xi32, #tpu.memory_space<hbm>>
        tpu.wait_dma2 semaphore(%run_scoped3A : memref<!tpu.dma_semaphore, #tpu.memory_space<semaphore_mem>>) src(%dma_wait3A_59 : memref<32x128xi32, #tpu.memory_space<hbm>>) dst(%arg7 : memref<32x128xi32, #tpu.memory_space<vmem>>)
        tpu.yield
      }) : () -> ()
      %mul3A_17 = arith.constant 32 : i32
      %mul3A_18 = arith.muli %scan3A_13, %mul3A_17 : i32
      %add3A_19 = arith.addi %mul3A_4, %mul3A_18 : i32
      "tpu.region"() ({
        %run_scoped3A = tpu.sem_alloc : memref<!tpu.dma_semaphore, #tpu.memory_space<semaphore_mem>>
        %dma_start3A = arith.constant 0 : i32
        %dma_start3A_53 = tpu.memref_slice %arg4[%add3A_19, %dma_start3A] : memref<4096x128xi32, #tpu.memory_space<hbm>> -> memref<32x128xi32, #tpu.memory_space<hbm>>
        %dma_start3A_54 = arith.constant 0 : i32
        %dma_start3A_55 = tpu.memref_slice %arg4[%add3A_19, %dma_start3A_54] : memref<4096x128xi32, #tpu.memory_space<hbm>> -> memref<32x128xi32, #tpu.memory_space<hbm>>
        tpu.enqueue_dma source(%dma_start3A_55 : memref<32x128xi32, #tpu.memory_space<hbm>>) target(%arg8 : memref<32x128xi32, #tpu.memory_space<vmem>>) target_semaphore(%run_scoped3A : memref<!tpu.dma_semaphore, #tpu.memory_space<semaphore_mem>>)
        %dma_wait3A_56 = arith.constant 0 : i32
        %dma_wait3A_57 = tpu.memref_slice %arg4[%add3A_19, %dma_wait3A_56] : memref<4096x128xi32, #tpu.memory_space<hbm>> -> memref<32x128xi32, #tpu.memory_space<hbm>>
        %dma_wait3A_58 = arith.constant 0 : i32
        %dma_wait3A_59 = tpu.memref_slice %arg4[%add3A_19, %dma_wait3A_58] : memref<4096x128xi32, #tpu.memory_space<hbm>> -> memref<32x128xi32, #tpu.memory_space<hbm>>
        tpu.wait_dma2 semaphore(%run_scoped3A : memref<!tpu.dma_semaphore, #tpu.memory_space<semaphore_mem>>) src(%dma_wait3A_59 : memref<32x128xi32, #tpu.memory_space<hbm>>) dst(%arg8 : memref<32x128xi32, #tpu.memory_space<vmem>>)
        tpu.yield
      }) : () -> ()
      %scan3A_20 = arith.constant 0 : i32
      %scan3A_21 = arith.constant 0 : i32
      %scan3A_22 = arith.constant 8 : i32
      %scan3A_23 = arith.addi %scan3A_21, %scan3A_22 : i32
      %scan3A_24 = arith.constant 1 : i32
      scf.for %scan3A_53 = %scan3A_21 to %scan3A_23 step %scan3A_24  : i32 {
        %mul3A_54 = arith.constant 4 : i32
        %mul3A_55 = arith.muli %scan3A_53, %mul3A_54 : i32
        %gt3A = arith.constant 0 : i32
        %gt3A_56 = arith.cmpi sgt, %scan3A_53, %gt3A : i32
        %convert_element_type3A = arith.extui %gt3A_56 : i1 to i32
        %cond3A = arith.constant 0 : i32
        %cond3A_57 = arith.cmpi ne, %convert_element_type3A, %cond3A : i32
        scf.if %cond3A_57 {
          %add3A_168 = arith.constant 0 : i32
          %add3A_169 = arith.addi %mul3A_55, %add3A_168 : i32
          %dma_wait3A_170 = arith.constant 0 : i32
          %dma_wait3A_171 = tpu.memref_slice %arg8[%add3A_169, %dma_wait3A_170] : memref<32x128xi32, #tpu.memory_space<vmem>> -> memref<1x128xi32, #tpu.memory_space<vmem>>
          %dma_wait3A_172 = tpu.memref_squeeze %dma_wait3A_171 : memref<1x128xi32, #tpu.memory_space<vmem>> -> memref<128xi32, #tpu.memory_space<vmem>>
          %dma_wait3A_173 = arith.constant 0 : i32
          %dma_wait3A_174 = arith.constant 0 : i32
          %dma_wait3A_175 = tpu.memref_slice %arg21[%dma_wait3A_173, %dma_wait3A_174] : memref<20480x64xf32, #tpu.memory_space<vmem_shared>> -> memref<20480x64xf32, #tpu.memory_space<vmem_shared>>
          tpu.wait_indirect_dma semaphore(%arg17 : memref<!tpu.dma_semaphore, #tpu.memory_space<semaphore_mem>>) src(%arg9 : memref<128x64xf32, #tpu.memory_space<vmem>>) dst(%dma_wait3A_175 : memref<20480x64xf32, #tpu.memory_space<vmem_shared>>)
        } else {
        }
        %add3A_58 = arith.constant 0 : i32
        %add3A_59 = arith.addi %mul3A_55, %add3A_58 : i32
        %dma_start3A = arith.constant 0 : i32
        %dma_start3A_60 = tpu.memref_slice %arg7[%add3A_59, %dma_start3A] : memref<32x128xi32, #tpu.memory_space<vmem>> -> memref<1x128xi32, #tpu.memory_space<vmem>>
        %dma_start3A_61 = tpu.memref_squeeze %dma_start3A_60 : memref<1x128xi32, #tpu.memory_space<vmem>> -> memref<128xi32, #tpu.memory_space<vmem>>
        %dma_start3A_62 = arith.constant 0 : i32
        %dma_start3A_63 = arith.constant 0 : i32
        %dma_start3A_64 = tpu.memref_slice %arg2[%dma_start3A_62, %dma_start3A_63] : memref<20480x64xf32, #tpu.memory_space<hbm>> -> memref<20480x64xf32, #tpu.memory_space<hbm>>
        tpu.enqueue_indirect_dma source(%dma_start3A_64 : memref<20480x64xf32, #tpu.memory_space<hbm>>) target(%arg9 : memref<128x64xf32, #tpu.memory_space<vmem>>) offsets(%dma_start3A_61 : memref<128xi32, #tpu.memory_space<vmem>>) semaphore(%arg13 : memref<!tpu.dma_semaphore, #tpu.memory_space<semaphore_mem>>)
        %gt3A_65 = arith.constant 0 : i32
        %gt3A_66 = arith.cmpi sgt, %scan3A_53, %gt3A_65 : i32
        %convert_element_type3A_67 = arith.extui %gt3A_66 : i1 to i32
        %cond3A_68 = arith.constant 0 : i32
        %cond3A_69 = arith.cmpi ne, %convert_element_type3A_67, %cond3A_68 : i32
        scf.if %cond3A_69 {
          %add3A_168 = arith.constant 1 : i32
          %add3A_169 = arith.addi %mul3A_55, %add3A_168 : i32
          %dma_wait3A_170 = arith.constant 0 : i32
          %dma_wait3A_171 = tpu.memref_slice %arg8[%add3A_169, %dma_wait3A_170] : memref<32x128xi32, #tpu.memory_space<vmem>> -> memref<1x128xi32, #tpu.memory_space<vmem>>
          %dma_wait3A_172 = tpu.memref_squeeze %dma_wait3A_171 : memref<1x128xi32, #tpu.memory_space<vmem>> -> memref<128xi32, #tpu.memory_space<vmem>>
          %dma_wait3A_173 = arith.constant 0 : i32
          %dma_wait3A_174 = arith.constant 0 : i32
          %dma_wait3A_175 = tpu.memref_slice %arg21[%dma_wait3A_173, %dma_wait3A_174] : memref<20480x64xf32, #tpu.memory_space<vmem_shared>> -> memref<20480x64xf32, #tpu.memory_space<vmem_shared>>
          tpu.wait_indirect_dma semaphore(%arg18 : memref<!tpu.dma_semaphore, #tpu.memory_space<semaphore_mem>>) src(%arg10 : memref<128x64xf32, #tpu.memory_space<vmem>>) dst(%dma_wait3A_175 : memref<20480x64xf32, #tpu.memory_space<vmem_shared>>)
        } else {
        }
        %add3A_70 = arith.constant 1 : i32
        %add3A_71 = arith.addi %mul3A_55, %add3A_70 : i32
        %dma_start3A_72 = arith.constant 0 : i32
        %dma_start3A_73 = tpu.memref_slice %arg7[%add3A_71, %dma_start3A_72] : memref<32x128xi32, #tpu.memory_space<vmem>> -> memref<1x128xi32, #tpu.memory_space<vmem>>
        %dma_start3A_74 = tpu.memref_squeeze %dma_start3A_73 : memref<1x128xi32, #tpu.memory_space<vmem>> -> memref<128xi32, #tpu.memory_space<vmem>>
        %dma_start3A_75 = arith.constant 0 : i32
        %dma_start3A_76 = arith.constant 0 : i32
        %dma_start3A_77 = tpu.memref_slice %arg2[%dma_start3A_75, %dma_start3A_76] : memref<20480x64xf32, #tpu.memory_space<hbm>> -> memref<20480x64xf32, #tpu.memory_space<hbm>>
        tpu.enqueue_indirect_dma source(%dma_start3A_77 : memref<20480x64xf32, #tpu.memory_space<hbm>>) target(%arg10 : memref<128x64xf32, #tpu.memory_space<vmem>>) offsets(%dma_start3A_74 : memref<128xi32, #tpu.memory_space<vmem>>) semaphore(%arg14 : memref<!tpu.dma_semaphore, #tpu.memory_space<semaphore_mem>>)
        %gt3A_78 = arith.constant 0 : i32
        %gt3A_79 = arith.cmpi sgt, %scan3A_53, %gt3A_78 : i32
        %convert_element_type3A_80 = arith.extui %gt3A_79 : i1 to i32
        %cond3A_81 = arith.constant 0 : i32
        %cond3A_82 = arith.cmpi ne, %convert_element_type3A_80, %cond3A_81 : i32
        scf.if %cond3A_82 {
          %add3A_168 = arith.constant 2 : i32
          %add3A_169 = arith.addi %mul3A_55, %add3A_168 : i32
          %dma_wait3A_170 = arith.constant 0 : i32
          %dma_wait3A_171 = tpu.memref_slice %arg8[%add3A_169, %dma_wait3A_170] : memref<32x128xi32, #tpu.memory_space<vmem>> -> memref<1x128xi32, #tpu.memory_space<vmem>>
          %dma_wait3A_172 = tpu.memref_squeeze %dma_wait3A_171 : memref<1x128xi32, #tpu.memory_space<vmem>> -> memref<128xi32, #tpu.memory_space<vmem>>
          %dma_wait3A_173 = arith.constant 0 : i32
          %dma_wait3A_174 = arith.constant 0 : i32
          %dma_wait3A_175 = tpu.memref_slice %arg21[%dma_wait3A_173, %dma_wait3A_174] : memref<20480x64xf32, #tpu.memory_space<vmem_shared>> -> memref<20480x64xf32, #tpu.memory_space<vmem_shared>>
          tpu.wait_indirect_dma semaphore(%arg19 : memref<!tpu.dma_semaphore, #tpu.memory_space<semaphore_mem>>) src(%arg11 : memref<128x64xf32, #tpu.memory_space<vmem>>) dst(%dma_wait3A_175 : memref<20480x64xf32, #tpu.memory_space<vmem_shared>>)
        } else {
        }
        %add3A_83 = arith.constant 2 : i32
        %add3A_84 = arith.addi %mul3A_55, %add3A_83 : i32
        %dma_start3A_85 = arith.constant 0 : i32
        %dma_start3A_86 = tpu.memref_slice %arg7[%add3A_84, %dma_start3A_85] : memref<32x128xi32, #tpu.memory_space<vmem>> -> memref<1x128xi32, #tpu.memory_space<vmem>>
        %dma_start3A_87 = tpu.memref_squeeze %dma_start3A_86 : memref<1x128xi32, #tpu.memory_space<vmem>> -> memref<128xi32, #tpu.memory_space<vmem>>
        %dma_start3A_88 = arith.constant 0 : i32
        %dma_start3A_89 = arith.constant 0 : i32
        %dma_start3A_90 = tpu.memref_slice %arg2[%dma_start3A_88, %dma_start3A_89] : memref<20480x64xf32, #tpu.memory_space<hbm>> -> memref<20480x64xf32, #tpu.memory_space<hbm>>
        tpu.enqueue_indirect_dma source(%dma_start3A_90 : memref<20480x64xf32, #tpu.memory_space<hbm>>) target(%arg11 : memref<128x64xf32, #tpu.memory_space<vmem>>) offsets(%dma_start3A_87 : memref<128xi32, #tpu.memory_space<vmem>>) semaphore(%arg15 : memref<!tpu.dma_semaphore, #tpu.memory_space<semaphore_mem>>)
        %gt3A_91 = arith.constant 0 : i32
        %gt3A_92 = arith.cmpi sgt, %scan3A_53, %gt3A_91 : i32
        %convert_element_type3A_93 = arith.extui %gt3A_92 : i1 to i32
        %cond3A_94 = arith.constant 0 : i32
        %cond3A_95 = arith.cmpi ne, %convert_element_type3A_93, %cond3A_94 : i32
        scf.if %cond3A_95 {
          %add3A_168 = arith.constant 3 : i32
          %add3A_169 = arith.addi %mul3A_55, %add3A_168 : i32
          %dma_wait3A_170 = arith.constant 0 : i32
          %dma_wait3A_171 = tpu.memref_slice %arg8[%add3A_169, %dma_wait3A_170] : memref<32x128xi32, #tpu.memory_space<vmem>> -> memref<1x128xi32, #tpu.memory_space<vmem>>
          %dma_wait3A_172 = tpu.memref_squeeze %dma_wait3A_171 : memref<1x128xi32, #tpu.memory_space<vmem>> -> memref<128xi32, #tpu.memory_space<vmem>>
          %dma_wait3A_173 = arith.constant 0 : i32
          %dma_wait3A_174 = arith.constant 0 : i32
          %dma_wait3A_175 = tpu.memref_slice %arg21[%dma_wait3A_173, %dma_wait3A_174] : memref<20480x64xf32, #tpu.memory_space<vmem_shared>> -> memref<20480x64xf32, #tpu.memory_space<vmem_shared>>
          tpu.wait_indirect_dma semaphore(%arg20 : memref<!tpu.dma_semaphore, #tpu.memory_space<semaphore_mem>>) src(%arg12 : memref<128x64xf32, #tpu.memory_space<vmem>>) dst(%dma_wait3A_175 : memref<20480x64xf32, #tpu.memory_space<vmem_shared>>)
        } else {
        }
        %add3A_96 = arith.constant 3 : i32
        %add3A_97 = arith.addi %mul3A_55, %add3A_96 : i32
        %dma_start3A_98 = arith.constant 0 : i32
        %dma_start3A_99 = tpu.memref_slice %arg7[%add3A_97, %dma_start3A_98] : memref<32x128xi32, #tpu.memory_space<vmem>> -> memref<1x128xi32, #tpu.memory_space<vmem>>
        %dma_start3A_100 = tpu.memref_squeeze %dma_start3A_99 : memref<1x128xi32, #tpu.memory_space<vmem>> -> memref<128xi32, #tpu.memory_space<vmem>>
        %dma_start3A_101 = arith.constant 0 : i32
        %dma_start3A_102 = arith.constant 0 : i32
        %dma_start3A_103 = tpu.memref_slice %arg2[%dma_start3A_101, %dma_start3A_102] : memref<20480x64xf32, #tpu.memory_space<hbm>> -> memref<20480x64xf32, #tpu.memory_space<hbm>>
        tpu.enqueue_indirect_dma source(%dma_start3A_103 : memref<20480x64xf32, #tpu.memory_space<hbm>>) target(%arg12 : memref<128x64xf32, #tpu.memory_space<vmem>>) offsets(%dma_start3A_100 : memref<128xi32, #tpu.memory_space<vmem>>) semaphore(%arg16 : memref<!tpu.dma_semaphore, #tpu.memory_space<semaphore_mem>>)
        %add3A_104 = arith.constant 0 : i32
        %add3A_105 = arith.addi %mul3A_55, %add3A_104 : i32
        %dma_wait3A_106 = arith.constant 0 : i32
        %dma_wait3A_107 = tpu.memref_slice %arg7[%add3A_105, %dma_wait3A_106] : memref<32x128xi32, #tpu.memory_space<vmem>> -> memref<1x128xi32, #tpu.memory_space<vmem>>
        %dma_wait3A_108 = tpu.memref_squeeze %dma_wait3A_107 : memref<1x128xi32, #tpu.memory_space<vmem>> -> memref<128xi32, #tpu.memory_space<vmem>>
        %dma_wait3A_109 = arith.constant 0 : i32
        %dma_wait3A_110 = arith.constant 0 : i32
        %dma_wait3A_111 = tpu.memref_slice %arg2[%dma_wait3A_109, %dma_wait3A_110] : memref<20480x64xf32, #tpu.memory_space<hbm>> -> memref<20480x64xf32, #tpu.memory_space<hbm>>
        tpu.wait_indirect_dma semaphore(%arg13 : memref<!tpu.dma_semaphore, #tpu.memory_space<semaphore_mem>>) src(%dma_wait3A_111 : memref<20480x64xf32, #tpu.memory_space<hbm>>) dst(%arg9 : memref<128x64xf32, #tpu.memory_space<vmem>>)
        %add3A_112 = arith.constant 0 : i32
        %add3A_113 = arith.addi %mul3A_55, %add3A_112 : i32
        %dma_start3A_114 = arith.constant 0 : i32
        %dma_start3A_115 = tpu.memref_slice %arg8[%add3A_113, %dma_start3A_114] : memref<32x128xi32, #tpu.memory_space<vmem>> -> memref<1x128xi32, #tpu.memory_space<vmem>>
        %dma_start3A_116 = tpu.memref_squeeze %dma_start3A_115 : memref<1x128xi32, #tpu.memory_space<vmem>> -> memref<128xi32, #tpu.memory_space<vmem>>
        %dma_start3A_117 = arith.constant 0 : i32
        %dma_start3A_118 = arith.constant 0 : i32
        %dma_start3A_119 = tpu.memref_slice %arg21[%dma_start3A_117, %dma_start3A_118] : memref<20480x64xf32, #tpu.memory_space<vmem_shared>> -> memref<20480x64xf32, #tpu.memory_space<vmem_shared>>
        tpu.enqueue_indirect_dma source(%arg9 : memref<128x64xf32, #tpu.memory_space<vmem>>) target(%dma_start3A_119 : memref<20480x64xf32, #tpu.memory_space<vmem_shared>>) offsets(%dma_start3A_116 : memref<128xi32, #tpu.memory_space<vmem>>) semaphore(%arg17 : memref<!tpu.dma_semaphore, #tpu.memory_space<semaphore_mem>>) {add = true}
        %add3A_120 = arith.constant 1 : i32
        %add3A_121 = arith.addi %mul3A_55, %add3A_120 : i32
        %dma_wait3A_122 = arith.constant 0 : i32
        %dma_wait3A_123 = tpu.memref_slice %arg7[%add3A_121, %dma_wait3A_122] : memref<32x128xi32, #tpu.memory_space<vmem>> -> memref<1x128xi32, #tpu.memory_space<vmem>>
        %dma_wait3A_124 = tpu.memref_squeeze %dma_wait3A_123 : memref<1x128xi32, #tpu.memory_space<vmem>> -> memref<128xi32, #tpu.memory_space<vmem>>
        %dma_wait3A_125 = arith.constant 0 : i32
        %dma_wait3A_126 = arith.constant 0 : i32
        %dma_wait3A_127 = tpu.memref_slice %arg2[%dma_wait3A_125, %dma_wait3A_126] : memref<20480x64xf32, #tpu.memory_space<hbm>> -> memref<20480x64xf32, #tpu.memory_space<hbm>>
        tpu.wait_indirect_dma semaphore(%arg14 : memref<!tpu.dma_semaphore, #tpu.memory_space<semaphore_mem>>) src(%dma_wait3A_127 : memref<20480x64xf32, #tpu.memory_space<hbm>>) dst(%arg10 : memref<128x64xf32, #tpu.memory_space<vmem>>)
        %add3A_128 = arith.constant 1 : i32
        %add3A_129 = arith.addi %mul3A_55, %add3A_128 : i32
        %dma_start3A_130 = arith.constant 0 : i32
        %dma_start3A_131 = tpu.memref_slice %arg8[%add3A_129, %dma_start3A_130] : memref<32x128xi32, #tpu.memory_space<vmem>> -> memref<1x128xi32, #tpu.memory_space<vmem>>
        %dma_start3A_132 = tpu.memref_squeeze %dma_start3A_131 : memref<1x128xi32, #tpu.memory_space<vmem>> -> memref<128xi32, #tpu.memory_space<vmem>>
        %dma_start3A_133 = arith.constant 0 : i32
        %dma_start3A_134 = arith.constant 0 : i32
        %dma_start3A_135 = tpu.memref_slice %arg21[%dma_start3A_133, %dma_start3A_134] : memref<20480x64xf32, #tpu.memory_space<vmem_shared>> -> memref<20480x64xf32, #tpu.memory_space<vmem_shared>>
        tpu.enqueue_indirect_dma source(%arg10 : memref<128x64xf32, #tpu.memory_space<vmem>>) target(%dma_start3A_135 : memref<20480x64xf32, #tpu.memory_space<vmem_shared>>) offsets(%dma_start3A_132 : memref<128xi32, #tpu.memory_space<vmem>>) semaphore(%arg18 : memref<!tpu.dma_semaphore, #tpu.memory_space<semaphore_mem>>) {add = true}
        %add3A_136 = arith.constant 2 : i32
        %add3A_137 = arith.addi %mul3A_55, %add3A_136 : i32
        %dma_wait3A_138 = arith.constant 0 : i32
        %dma_wait3A_139 = tpu.memref_slice %arg7[%add3A_137, %dma_wait3A_138] : memref<32x128xi32, #tpu.memory_space<vmem>> -> memref<1x128xi32, #tpu.memory_space<vmem>>
        %dma_wait3A_140 = tpu.memref_squeeze %dma_wait3A_139 : memref<1x128xi32, #tpu.memory_space<vmem>> -> memref<128xi32, #tpu.memory_space<vmem>>
        %dma_wait3A_141 = arith.constant 0 : i32
        %dma_wait3A_142 = arith.constant 0 : i32
        %dma_wait3A_143 = tpu.memref_slice %arg2[%dma_wait3A_141, %dma_wait3A_142] : memref<20480x64xf32, #tpu.memory_space<hbm>> -> memref<20480x64xf32, #tpu.memory_space<hbm>>
        tpu.wait_indirect_dma semaphore(%arg15 : memref<!tpu.dma_semaphore, #tpu.memory_space<semaphore_mem>>) src(%dma_wait3A_143 : memref<20480x64xf32, #tpu.memory_space<hbm>>) dst(%arg11 : memref<128x64xf32, #tpu.memory_space<vmem>>)
        %add3A_144 = arith.constant 2 : i32
        %add3A_145 = arith.addi %mul3A_55, %add3A_144 : i32
        %dma_start3A_146 = arith.constant 0 : i32
        %dma_start3A_147 = tpu.memref_slice %arg8[%add3A_145, %dma_start3A_146] : memref<32x128xi32, #tpu.memory_space<vmem>> -> memref<1x128xi32, #tpu.memory_space<vmem>>
        %dma_start3A_148 = tpu.memref_squeeze %dma_start3A_147 : memref<1x128xi32, #tpu.memory_space<vmem>> -> memref<128xi32, #tpu.memory_space<vmem>>
        %dma_start3A_149 = arith.constant 0 : i32
        %dma_start3A_150 = arith.constant 0 : i32
        %dma_start3A_151 = tpu.memref_slice %arg21[%dma_start3A_149, %dma_start3A_150] : memref<20480x64xf32, #tpu.memory_space<vmem_shared>> -> memref<20480x64xf32, #tpu.memory_space<vmem_shared>>
        tpu.enqueue_indirect_dma source(%arg11 : memref<128x64xf32, #tpu.memory_space<vmem>>) target(%dma_start3A_151 : memref<20480x64xf32, #tpu.memory_space<vmem_shared>>) offsets(%dma_start3A_148 : memref<128xi32, #tpu.memory_space<vmem>>) semaphore(%arg19 : memref<!tpu.dma_semaphore, #tpu.memory_space<semaphore_mem>>) {add = true}
        %add3A_152 = arith.constant 3 : i32
        %add3A_153 = arith.addi %mul3A_55, %add3A_152 : i32
        %dma_wait3A_154 = arith.constant 0 : i32
        %dma_wait3A_155 = tpu.memref_slice %arg7[%add3A_153, %dma_wait3A_154] : memref<32x128xi32, #tpu.memory_space<vmem>> -> memref<1x128xi32, #tpu.memory_space<vmem>>
        %dma_wait3A_156 = tpu.memref_squeeze %dma_wait3A_155 : memref<1x128xi32, #tpu.memory_space<vmem>> -> memref<128xi32, #tpu.memory_space<vmem>>
        %dma_wait3A_157 = arith.constant 0 : i32
        %dma_wait3A_158 = arith.constant 0 : i32
        %dma_wait3A_159 = tpu.memref_slice %arg2[%dma_wait3A_157, %dma_wait3A_158] : memref<20480x64xf32, #tpu.memory_space<hbm>> -> memref<20480x64xf32, #tpu.memory_space<hbm>>
        tpu.wait_indirect_dma semaphore(%arg16 : memref<!tpu.dma_semaphore, #tpu.memory_space<semaphore_mem>>) src(%dma_wait3A_159 : memref<20480x64xf32, #tpu.memory_space<hbm>>) dst(%arg12 : memref<128x64xf32, #tpu.memory_space<vmem>>)
        %add3A_160 = arith.constant 3 : i32
        %add3A_161 = arith.addi %mul3A_55, %add3A_160 : i32
        %dma_start3A_162 = arith.constant 0 : i32
        %dma_start3A_163 = tpu.memref_slice %arg8[%add3A_161, %dma_start3A_162] : memref<32x128xi32, #tpu.memory_space<vmem>> -> memref<1x128xi32, #tpu.memory_space<vmem>>
        %dma_start3A_164 = tpu.memref_squeeze %dma_start3A_163 : memref<1x128xi32, #tpu.memory_space<vmem>> -> memref<128xi32, #tpu.memory_space<vmem>>
        %dma_start3A_165 = arith.constant 0 : i32
        %dma_start3A_166 = arith.constant 0 : i32
        %dma_start3A_167 = tpu.memref_slice %arg21[%dma_start3A_165, %dma_start3A_166] : memref<20480x64xf32, #tpu.memory_space<vmem_shared>> -> memref<20480x64xf32, #tpu.memory_space<vmem_shared>>
        tpu.enqueue_indirect_dma source(%arg12 : memref<128x64xf32, #tpu.memory_space<vmem>>) target(%dma_start3A_167 : memref<20480x64xf32, #tpu.memory_space<vmem_shared>>) offsets(%dma_start3A_164 : memref<128xi32, #tpu.memory_space<vmem>>) semaphore(%arg20 : memref<!tpu.dma_semaphore, #tpu.memory_space<semaphore_mem>>) {add = true}
      }
      %scan3A_25 = arith.constant 8 : i32
      %dma_wait3A = arith.constant 28 : i32
      %dma_wait3A_26 = arith.constant 0 : i32
      %dma_wait3A_27 = tpu.memref_slice %arg8[%dma_wait3A, %dma_wait3A_26] : memref<32x128xi32, #tpu.memory_space<vmem>> -> memref<1x128xi32, #tpu.memory_space<vmem>>
      %dma_wait3A_28 = tpu.memref_squeeze %dma_wait3A_27 : memref<1x128xi32, #tpu.memory_space<vmem>> -> memref<128xi32, #tpu.memory_space<vmem>>
      %dma_wait3A_29 = arith.constant 0 : i32
      %dma_wait3A_30 = arith.constant 0 : i32
      %dma_wait3A_31 = tpu.memref_slice %arg21[%dma_wait3A_29, %dma_wait3A_30] : memref<20480x64xf32, #tpu.memory_space<vmem_shared>> -> memref<20480x64xf32, #tpu.memory_space<vmem_shared>>
      tpu.wait_indirect_dma semaphore(%arg17 : memref<!tpu.dma_semaphore, #tpu.memory_space<semaphore_mem>>) src(%arg9 : memref<128x64xf32, #tpu.memory_space<vmem>>) dst(%dma_wait3A_31 : memref<20480x64xf32, #tpu.memory_space<vmem_shared>>)
      %dma_wait3A_32 = arith.constant 29 : i32
      %dma_wait3A_33 = arith.constant 0 : i32
      %dma_wait3A_34 = tpu.memref_slice %arg8[%dma_wait3A_32, %dma_wait3A_33] : memref<32x128xi32, #tpu.memory_space<vmem>> -> memref<1x128xi32, #tpu.memory_space<vmem>>
      %dma_wait3A_35 = tpu.memref_squeeze %dma_wait3A_34 : memref<1x128xi32, #tpu.memory_space<vmem>> -> memref<128xi32, #tpu.memory_space<vmem>>
      %dma_wait3A_36 = arith.constant 0 : i32
      %dma_wait3A_37 = arith.constant 0 : i32
      %dma_wait3A_38 = tpu.memref_slice %arg21[%dma_wait3A_36, %dma_wait3A_37] : memref<20480x64xf32, #tpu.memory_space<vmem_shared>> -> memref<20480x64xf32, #tpu.memory_space<vmem_shared>>
      tpu.wait_indirect_dma semaphore(%arg18 : memref<!tpu.dma_semaphore, #tpu.memory_space<semaphore_mem>>) src(%arg10 : memref<128x64xf32, #tpu.memory_space<vmem>>) dst(%dma_wait3A_38 : memref<20480x64xf32, #tpu.memory_space<vmem_shared>>)
      %dma_wait3A_39 = arith.constant 30 : i32
      %dma_wait3A_40 = arith.constant 0 : i32
      %dma_wait3A_41 = tpu.memref_slice %arg8[%dma_wait3A_39, %dma_wait3A_40] : memref<32x128xi32, #tpu.memory_space<vmem>> -> memref<1x128xi32, #tpu.memory_space<vmem>>
      %dma_wait3A_42 = tpu.memref_squeeze %dma_wait3A_41 : memref<1x128xi32, #tpu.memory_space<vmem>> -> memref<128xi32, #tpu.memory_space<vmem>>
      %dma_wait3A_43 = arith.constant 0 : i32
      %dma_wait3A_44 = arith.constant 0 : i32
      %dma_wait3A_45 = tpu.memref_slice %arg21[%dma_wait3A_43, %dma_wait3A_44] : memref<20480x64xf32, #tpu.memory_space<vmem_shared>> -> memref<20480x64xf32, #tpu.memory_space<vmem_shared>>
      tpu.wait_indirect_dma semaphore(%arg19 : memref<!tpu.dma_semaphore, #tpu.memory_space<semaphore_mem>>) src(%arg11 : memref<128x64xf32, #tpu.memory_space<vmem>>) dst(%dma_wait3A_45 : memref<20480x64xf32, #tpu.memory_space<vmem_shared>>)
      %dma_wait3A_46 = arith.constant 31 : i32
      %dma_wait3A_47 = arith.constant 0 : i32
      %dma_wait3A_48 = tpu.memref_slice %arg8[%dma_wait3A_46, %dma_wait3A_47] : memref<32x128xi32, #tpu.memory_space<vmem>> -> memref<1x128xi32, #tpu.memory_space<vmem>>
      %dma_wait3A_49 = tpu.memref_squeeze %dma_wait3A_48 : memref<1x128xi32, #tpu.memory_space<vmem>> -> memref<128xi32, #tpu.memory_space<vmem>>
      %dma_wait3A_50 = arith.constant 0 : i32
      %dma_wait3A_51 = arith.constant 0 : i32
      %dma_wait3A_52 = tpu.memref_slice %arg21[%dma_wait3A_50, %dma_wait3A_51] : memref<20480x64xf32, #tpu.memory_space<vmem_shared>> -> memref<20480x64xf32, #tpu.memory_space<vmem_shared>>
      tpu.wait_indirect_dma semaphore(%arg20 : memref<!tpu.dma_semaphore, #tpu.memory_space<semaphore_mem>>) src(%arg12 : memref<128x64xf32, #tpu.memory_space<vmem>>) dst(%dma_wait3A_52 : memref<20480x64xf32, #tpu.memory_space<vmem_shared>>)
    }
    %scan3A_9 = arith.constant 4 : i32
    %barrier3A_10 = arith.constant 0 : index
    tpu.barrier barrier_id(%barrier3A_10)
    %mul3A_11 = arith.constant 1280 : i32
    %mul3A_12 = arith.muli %arg1, %mul3A_11 : i32
    "tpu.region"() ({
      %run_scoped3A = tpu.sem_alloc : memref<!tpu.dma_semaphore, #tpu.memory_space<semaphore_mem>>
      %dma_start3A = arith.constant 0 : i32
      %dma_start3A_13 = tpu.memref_slice %arg6[%arg0, %mul3A_12, %dma_start3A] : memref<2x20480x64xf32, #tpu.memory_space<hbm>> -> memref<1x1280x64xf32, #tpu.memory_space<hbm>>
      %dma_start3A_14 = tpu.memref_squeeze %dma_start3A_13 : memref<1x1280x64xf32, #tpu.memory_space<hbm>> -> memref<1280x64xf32, #tpu.memory_space<hbm>>
      %dma_start3A_15 = arith.constant 0 : i32
      %dma_start3A_16 = tpu.memref_slice %arg21[%mul3A_12, %dma_start3A_15] : memref<20480x64xf32, #tpu.memory_space<vmem_shared>> -> memref<1280x64xf32, #tpu.memory_space<vmem_shared>>
      tpu.enqueue_dma source(%dma_start3A_16 : memref<1280x64xf32, #tpu.memory_space<vmem_shared>>) target(%dma_start3A_14 : memref<1280x64xf32, #tpu.memory_space<hbm>>) target_semaphore(%run_scoped3A : memref<!tpu.dma_semaphore, #tpu.memory_space<semaphore_mem>>)
      %dma_wait3A = arith.constant 0 : i32
      %dma_wait3A_17 = tpu.memref_slice %arg6[%arg0, %mul3A_12, %dma_wait3A] : memref<2x20480x64xf32, #tpu.memory_space<hbm>> -> memref<1x1280x64xf32, #tpu.memory_space<hbm>>
      %dma_wait3A_18 = tpu.memref_squeeze %dma_wait3A_17 : memref<1x1280x64xf32, #tpu.memory_space<hbm>> -> memref<1280x64xf32, #tpu.memory_space<hbm>>
      %dma_wait3A_19 = arith.constant 0 : i32
      %dma_wait3A_20 = tpu.memref_slice %arg21[%mul3A_12, %dma_wait3A_19] : memref<20480x64xf32, #tpu.memory_space<vmem_shared>> -> memref<1280x64xf32, #tpu.memory_space<vmem_shared>>
      tpu.wait_dma2 semaphore(%run_scoped3A : memref<!tpu.dma_semaphore, #tpu.memory_space<semaphore_mem>>) src(%dma_wait3A_20 : memref<1280x64xf32, #tpu.memory_space<vmem_shared>>) dst(%dma_wait3A_18 : memref<1280x64xf32, #tpu.memory_space<hbm>>)
      tpu.yield
    }) : () -> ()
    return
  }
}

#map = affine_map<(d0, d1) -> (0, 0)>
#map1 = affine_map<(d0, d1) -> (0, 0, 0)>
module attributes {stable_mosaic.version = 14 : i64} {
  func.func @deg_kernel(%arg0: i32, %arg1: i32, %arg2: memref<4096x128xi32, #tpu.memory_space<hbm>>, %arg3: memref<2x20480x16xf32, #tpu.memory_space<hbm>>, %arg4: memref<128x128xi32, #tpu.memory_space<vmem>>, %arg5: memref<128x16xf32, #tpu.memory_space<vmem>>, %arg6: memref<128x16xf32, #tpu.memory_space<vmem>>, %arg7: memref<20480x16xf32, #tpu.memory_space<vmem_shared>>, %arg8: memref<!tpu.dma_semaphore, #tpu.memory_space<semaphore_mem>>) attributes {dimension_semantics = [#tpu.dimension_semantics<core_parallel>, #tpu.dimension_semantics<subcore_parallel>], iteration_bounds = array<i64: 2, 16>, scalar_prefetch = 0 : i64, scratch_operands = 5 : i64, tpu.core_type = #tpu.core_type<sc_vector_subcore>, window_params = [{transform_indices = #map}, {transform_indices = #map1}]} {
    %broadcast_in_dim3A = arith.constant 1.000000e+00 : f32
    %broadcast_in_dim3A_0 = vector.broadcast %broadcast_in_dim3A : f32 to vector<16xf32>
    %broadcast_in_dim3A_1 = arith.constant 0.000000e+00 : f32
    %broadcast_in_dim3A_2 = vector.broadcast %broadcast_in_dim3A_1 : f32 to vector<16xf32>
    %scan3A = arith.constant 0 : i32
    %scan3A_3 = arith.constant 0 : i32
    %scan3A_4 = arith.constant 128 : i32
    %scan3A_5 = arith.addi %scan3A_3, %scan3A_4 : i32
    %scan3A_6 = arith.constant 1 : i32
    scf.for %scan3A_66 = %scan3A_3 to %scan3A_5 step %scan3A_6  : i32 {
      %swap3A = arith.index_cast %scan3A_66 : i32 to index
      %swap3A_67 = arith.constant 0 : index
      %swap3A_68 = tpu.vector_load %arg5[%swap3A, %swap3A_67] {strides = array<i32>} : memref<128x16xf32, #tpu.memory_space<vmem>>, vector<1x16xf32>,
      %swap3A_69 = vector.shape_cast %swap3A_68 : vector<1x16xf32> to vector<16xf32>
      %swap3A_70 = vector.shape_cast %broadcast_in_dim3A_0 : vector<16xf32> to vector<1x16xf32>
      tpu.vector_store %arg5[%swap3A, %swap3A_67], %swap3A_70 {strides = array<i32>} : memref<128x16xf32, #tpu.memory_space<vmem>>, vector<1x16xf32>,
      %swap3A_71 = arith.index_cast %scan3A_66 : i32 to index
      %swap3A_72 = arith.constant 0 : index
      %swap3A_73 = tpu.vector_load %arg6[%swap3A_71, %swap3A_72] {strides = array<i32>} : memref<128x16xf32, #tpu.memory_space<vmem>>, vector<1x16xf32>,
      %swap3A_74 = vector.shape_cast %swap3A_73 : vector<1x16xf32> to vector<16xf32>
      %swap3A_75 = vector.shape_cast %broadcast_in_dim3A_2 : vector<16xf32> to vector<1x16xf32>
      tpu.vector_store %arg6[%swap3A_71, %swap3A_72], %swap3A_75 {strides = array<i32>} : memref<128x16xf32, #tpu.memory_space<vmem>>, vector<1x16xf32>,
    }
    %scan3A_7 = arith.constant 128 : i32
    %mul3A = arith.constant 1280 : i32
    %mul3A_8 = arith.muli %arg1, %mul3A : i32
    %add3A = arith.constant 0 : i32
    %add3A_9 = arith.addi %mul3A_8, %add3A : i32
    "tpu.region"() ({
      %run_scoped3A = tpu.sem_alloc : memref<!tpu.dma_semaphore, #tpu.memory_space<semaphore_mem>>
      %dma_start3A = arith.constant 0 : i32
      %dma_start3A_66 = tpu.memref_slice %arg7[%add3A_9, %dma_start3A] : memref<20480x16xf32, #tpu.memory_space<vmem_shared>> -> memref<128x16xf32, #tpu.memory_space<vmem_shared>>
      %dma_start3A_67 = arith.constant 0 : i32
      %dma_start3A_68 = tpu.memref_slice %arg7[%add3A_9, %dma_start3A_67] : memref<20480x16xf32, #tpu.memory_space<vmem_shared>> -> memref<128x16xf32, #tpu.memory_space<vmem_shared>>
      tpu.enqueue_dma source(%arg6 : memref<128x16xf32, #tpu.memory_space<vmem>>) target(%dma_start3A_68 : memref<128x16xf32, #tpu.memory_space<vmem_shared>>) target_semaphore(%run_scoped3A : memref<!tpu.dma_semaphore, #tpu.memory_space<semaphore_mem>>)
      %dma_wait3A = arith.constant 0 : i32
      %dma_wait3A_69 = tpu.memref_slice %arg7[%add3A_9, %dma_wait3A] : memref<20480x16xf32, #tpu.memory_space<vmem_shared>> -> memref<128x16xf32, #tpu.memory_space<vmem_shared>>
      %dma_wait3A_70 = arith.constant 0 : i32
      %dma_wait3A_71 = tpu.memref_slice %arg7[%add3A_9, %dma_wait3A_70] : memref<20480x16xf32, #tpu.memory_space<vmem_shared>> -> memref<128x16xf32, #tpu.memory_space<vmem_shared>>
      tpu.wait_dma2 semaphore(%run_scoped3A : memref<!tpu.dma_semaphore, #tpu.memory_space<semaphore_mem>>) src(%arg6 : memref<128x16xf32, #tpu.memory_space<vmem>>) dst(%dma_wait3A_71 : memref<128x16xf32, #tpu.memory_space<vmem_shared>>)
      tpu.yield
    }) : () -> ()
    %mul3A_10 = arith.constant 1280 : i32
    %mul3A_11 = arith.muli %arg1, %mul3A_10 : i32
    %add3A_12 = arith.constant 128 : i32
    %add3A_13 = arith.addi %mul3A_11, %add3A_12 : i32
    "tpu.region"() ({
      %run_scoped3A = tpu.sem_alloc : memref<!tpu.dma_semaphore, #tpu.memory_space<semaphore_mem>>
      %dma_start3A = arith.constant 0 : i32
      %dma_start3A_66 = tpu.memref_slice %arg7[%add3A_13, %dma_start3A] : memref<20480x16xf32, #tpu.memory_space<vmem_shared>> -> memref<128x16xf32, #tpu.memory_space<vmem_shared>>
      %dma_start3A_67 = arith.constant 0 : i32
      %dma_start3A_68 = tpu.memref_slice %arg7[%add3A_13, %dma_start3A_67] : memref<20480x16xf32, #tpu.memory_space<vmem_shared>> -> memref<128x16xf32, #tpu.memory_space<vmem_shared>>
      tpu.enqueue_dma source(%arg6 : memref<128x16xf32, #tpu.memory_space<vmem>>) target(%dma_start3A_68 : memref<128x16xf32, #tpu.memory_space<vmem_shared>>) target_semaphore(%run_scoped3A : memref<!tpu.dma_semaphore, #tpu.memory_space<semaphore_mem>>)
      %dma_wait3A = arith.constant 0 : i32
      %dma_wait3A_69 = tpu.memref_slice %arg7[%add3A_13, %dma_wait3A] : memref<20480x16xf32, #tpu.memory_space<vmem_shared>> -> memref<128x16xf32, #tpu.memory_space<vmem_shared>>
      %dma_wait3A_70 = arith.constant 0 : i32
      %dma_wait3A_71 = tpu.memref_slice %arg7[%add3A_13, %dma_wait3A_70] : memref<20480x16xf32, #tpu.memory_space<vmem_shared>> -> memref<128x16xf32, #tpu.memory_space<vmem_shared>>
      tpu.wait_dma2 semaphore(%run_scoped3A : memref<!tpu.dma_semaphore, #tpu.memory_space<semaphore_mem>>) src(%arg6 : memref<128x16xf32, #tpu.memory_space<vmem>>) dst(%dma_wait3A_71 : memref<128x16xf32, #tpu.memory_space<vmem_shared>>)
      tpu.yield
    }) : () -> ()
    %mul3A_14 = arith.constant 1280 : i32
    %mul3A_15 = arith.muli %arg1, %mul3A_14 : i32
    %add3A_16 = arith.constant 256 : i32
    %add3A_17 = arith.addi %mul3A_15, %add3A_16 : i32
    "tpu.region"() ({
      %run_scoped3A = tpu.sem_alloc : memref<!tpu.dma_semaphore, #tpu.memory_space<semaphore_mem>>
      %dma_start3A = arith.constant 0 : i32
      %dma_start3A_66 = tpu.memref_slice %arg7[%add3A_17, %dma_start3A] : memref<20480x16xf32, #tpu.memory_space<vmem_shared>> -> memref<128x16xf32, #tpu.memory_space<vmem_shared>>
      %dma_start3A_67 = arith.constant 0 : i32
      %dma_start3A_68 = tpu.memref_slice %arg7[%add3A_17, %dma_start3A_67] : memref<20480x16xf32, #tpu.memory_space<vmem_shared>> -> memref<128x16xf32, #tpu.memory_space<vmem_shared>>
      tpu.enqueue_dma source(%arg6 : memref<128x16xf32, #tpu.memory_space<vmem>>) target(%dma_start3A_68 : memref<128x16xf32, #tpu.memory_space<vmem_shared>>) target_semaphore(%run_scoped3A : memref<!tpu.dma_semaphore, #tpu.memory_space<semaphore_mem>>)
      %dma_wait3A = arith.constant 0 : i32
      %dma_wait3A_69 = tpu.memref_slice %arg7[%add3A_17, %dma_wait3A] : memref<20480x16xf32, #tpu.memory_space<vmem_shared>> -> memref<128x16xf32, #tpu.memory_space<vmem_shared>>
      %dma_wait3A_70 = arith.constant 0 : i32
      %dma_wait3A_71 = tpu.memref_slice %arg7[%add3A_17, %dma_wait3A_70] : memref<20480x16xf32, #tpu.memory_space<vmem_shared>> -> memref<128x16xf32, #tpu.memory_space<vmem_shared>>
      tpu.wait_dma2 semaphore(%run_scoped3A : memref<!tpu.dma_semaphore, #tpu.memory_space<semaphore_mem>>) src(%arg6 : memref<128x16xf32, #tpu.memory_space<vmem>>) dst(%dma_wait3A_71 : memref<128x16xf32, #tpu.memory_space<vmem_shared>>)
      tpu.yield
    }) : () -> ()
    %mul3A_18 = arith.constant 1280 : i32
    %mul3A_19 = arith.muli %arg1, %mul3A_18 : i32
    %add3A_20 = arith.constant 384 : i32
    %add3A_21 = arith.addi %mul3A_19, %add3A_20 : i32
    "tpu.region"() ({
      %run_scoped3A = tpu.sem_alloc : memref<!tpu.dma_semaphore, #tpu.memory_space<semaphore_mem>>
      %dma_start3A = arith.constant 0 : i32
      %dma_start3A_66 = tpu.memref_slice %arg7[%add3A_21, %dma_start3A] : memref<20480x16xf32, #tpu.memory_space<vmem_shared>> -> memref<128x16xf32, #tpu.memory_space<vmem_shared>>
      %dma_start3A_67 = arith.constant 0 : i32
      %dma_start3A_68 = tpu.memref_slice %arg7[%add3A_21, %dma_start3A_67] : memref<20480x16xf32, #tpu.memory_space<vmem_shared>> -> memref<128x16xf32, #tpu.memory_space<vmem_shared>>
      tpu.enqueue_dma source(%arg6 : memref<128x16xf32, #tpu.memory_space<vmem>>) target(%dma_start3A_68 : memref<128x16xf32, #tpu.memory_space<vmem_shared>>) target_semaphore(%run_scoped3A : memref<!tpu.dma_semaphore, #tpu.memory_space<semaphore_mem>>)
      %dma_wait3A = arith.constant 0 : i32
      %dma_wait3A_69 = tpu.memref_slice %arg7[%add3A_21, %dma_wait3A] : memref<20480x16xf32, #tpu.memory_space<vmem_shared>> -> memref<128x16xf32, #tpu.memory_space<vmem_shared>>
      %dma_wait3A_70 = arith.constant 0 : i32
      %dma_wait3A_71 = tpu.memref_slice %arg7[%add3A_21, %dma_wait3A_70] : memref<20480x16xf32, #tpu.memory_space<vmem_shared>> -> memref<128x16xf32, #tpu.memory_space<vmem_shared>>
      tpu.wait_dma2 semaphore(%run_scoped3A : memref<!tpu.dma_semaphore, #tpu.memory_space<semaphore_mem>>) src(%arg6 : memref<128x16xf32, #tpu.memory_space<vmem>>) dst(%dma_wait3A_71 : memref<128x16xf32, #tpu.memory_space<vmem_shared>>)
      tpu.yield
    }) : () -> ()
    %mul3A_22 = arith.constant 1280 : i32
    %mul3A_23 = arith.muli %arg1, %mul3A_22 : i32
    %add3A_24 = arith.constant 512 : i32
    %add3A_25 = arith.addi %mul3A_23, %add3A_24 : i32
    "tpu.region"() ({
      %run_scoped3A = tpu.sem_alloc : memref<!tpu.dma_semaphore, #tpu.memory_space<semaphore_mem>>
      %dma_start3A = arith.constant 0 : i32
      %dma_start3A_66 = tpu.memref_slice %arg7[%add3A_25, %dma_start3A] : memref<20480x16xf32, #tpu.memory_space<vmem_shared>> -> memref<128x16xf32, #tpu.memory_space<vmem_shared>>
      %dma_start3A_67 = arith.constant 0 : i32
      %dma_start3A_68 = tpu.memref_slice %arg7[%add3A_25, %dma_start3A_67] : memref<20480x16xf32, #tpu.memory_space<vmem_shared>> -> memref<128x16xf32, #tpu.memory_space<vmem_shared>>
      tpu.enqueue_dma source(%arg6 : memref<128x16xf32, #tpu.memory_space<vmem>>) target(%dma_start3A_68 : memref<128x16xf32, #tpu.memory_space<vmem_shared>>) target_semaphore(%run_scoped3A : memref<!tpu.dma_semaphore, #tpu.memory_space<semaphore_mem>>)
      %dma_wait3A = arith.constant 0 : i32
      %dma_wait3A_69 = tpu.memref_slice %arg7[%add3A_25, %dma_wait3A] : memref<20480x16xf32, #tpu.memory_space<vmem_shared>> -> memref<128x16xf32, #tpu.memory_space<vmem_shared>>
      %dma_wait3A_70 = arith.constant 0 : i32
      %dma_wait3A_71 = tpu.memref_slice %arg7[%add3A_25, %dma_wait3A_70] : memref<20480x16xf32, #tpu.memory_space<vmem_shared>> -> memref<128x16xf32, #tpu.memory_space<vmem_shared>>
      tpu.wait_dma2 semaphore(%run_scoped3A : memref<!tpu.dma_semaphore, #tpu.memory_space<semaphore_mem>>) src(%arg6 : memref<128x16xf32, #tpu.memory_space<vmem>>) dst(%dma_wait3A_71 : memref<128x16xf32, #tpu.memory_space<vmem_shared>>)
      tpu.yield
    }) : () -> ()
    %mul3A_26 = arith.constant 1280 : i32
    %mul3A_27 = arith.muli %arg1, %mul3A_26 : i32
    %add3A_28 = arith.constant 640 : i32
    %add3A_29 = arith.addi %mul3A_27, %add3A_28 : i32
    "tpu.region"() ({
      %run_scoped3A = tpu.sem_alloc : memref<!tpu.dma_semaphore, #tpu.memory_space<semaphore_mem>>
      %dma_start3A = arith.constant 0 : i32
      %dma_start3A_66 = tpu.memref_slice %arg7[%add3A_29, %dma_start3A] : memref<20480x16xf32, #tpu.memory_space<vmem_shared>> -> memref<128x16xf32, #tpu.memory_space<vmem_shared>>
      %dma_start3A_67 = arith.constant 0 : i32
      %dma_start3A_68 = tpu.memref_slice %arg7[%add3A_29, %dma_start3A_67] : memref<20480x16xf32, #tpu.memory_space<vmem_shared>> -> memref<128x16xf32, #tpu.memory_space<vmem_shared>>
      tpu.enqueue_dma source(%arg6 : memref<128x16xf32, #tpu.memory_space<vmem>>) target(%dma_start3A_68 : memref<128x16xf32, #tpu.memory_space<vmem_shared>>) target_semaphore(%run_scoped3A : memref<!tpu.dma_semaphore, #tpu.memory_space<semaphore_mem>>)
      %dma_wait3A = arith.constant 0 : i32
      %dma_wait3A_69 = tpu.memref_slice %arg7[%add3A_29, %dma_wait3A] : memref<20480x16xf32, #tpu.memory_space<vmem_shared>> -> memref<128x16xf32, #tpu.memory_space<vmem_shared>>
      %dma_wait3A_70 = arith.constant 0 : i32
      %dma_wait3A_71 = tpu.memref_slice %arg7[%add3A_29, %dma_wait3A_70] : memref<20480x16xf32, #tpu.memory_space<vmem_shared>> -> memref<128x16xf32, #tpu.memory_space<vmem_shared>>
      tpu.wait_dma2 semaphore(%run_scoped3A : memref<!tpu.dma_semaphore, #tpu.memory_space<semaphore_mem>>) src(%arg6 : memref<128x16xf32, #tpu.memory_space<vmem>>) dst(%dma_wait3A_71 : memref<128x16xf32, #tpu.memory_space<vmem_shared>>)
      tpu.yield
    }) : () -> ()
    %mul3A_30 = arith.constant 1280 : i32
    %mul3A_31 = arith.muli %arg1, %mul3A_30 : i32
    %add3A_32 = arith.constant 768 : i32
    %add3A_33 = arith.addi %mul3A_31, %add3A_32 : i32
    "tpu.region"() ({
      %run_scoped3A = tpu.sem_alloc : memref<!tpu.dma_semaphore, #tpu.memory_space<semaphore_mem>>
      %dma_start3A = arith.constant 0 : i32
      %dma_start3A_66 = tpu.memref_slice %arg7[%add3A_33, %dma_start3A] : memref<20480x16xf32, #tpu.memory_space<vmem_shared>> -> memref<128x16xf32, #tpu.memory_space<vmem_shared>>
      %dma_start3A_67 = arith.constant 0 : i32
      %dma_start3A_68 = tpu.memref_slice %arg7[%add3A_33, %dma_start3A_67] : memref<20480x16xf32, #tpu.memory_space<vmem_shared>> -> memref<128x16xf32, #tpu.memory_space<vmem_shared>>
      tpu.enqueue_dma source(%arg6 : memref<128x16xf32, #tpu.memory_space<vmem>>) target(%dma_start3A_68 : memref<128x16xf32, #tpu.memory_space<vmem_shared>>) target_semaphore(%run_scoped3A : memref<!tpu.dma_semaphore, #tpu.memory_space<semaphore_mem>>)
      %dma_wait3A = arith.constant 0 : i32
      %dma_wait3A_69 = tpu.memref_slice %arg7[%add3A_33, %dma_wait3A] : memref<20480x16xf32, #tpu.memory_space<vmem_shared>> -> memref<128x16xf32, #tpu.memory_space<vmem_shared>>
      %dma_wait3A_70 = arith.constant 0 : i32
      %dma_wait3A_71 = tpu.memref_slice %arg7[%add3A_33, %dma_wait3A_70] : memref<20480x16xf32, #tpu.memory_space<vmem_shared>> -> memref<128x16xf32, #tpu.memory_space<vmem_shared>>
      tpu.wait_dma2 semaphore(%run_scoped3A : memref<!tpu.dma_semaphore, #tpu.memory_space<semaphore_mem>>) src(%arg6 : memref<128x16xf32, #tpu.memory_space<vmem>>) dst(%dma_wait3A_71 : memref<128x16xf32, #tpu.memory_space<vmem_shared>>)
      tpu.yield
    }) : () -> ()
    %mul3A_34 = arith.constant 1280 : i32
    %mul3A_35 = arith.muli %arg1, %mul3A_34 : i32
    %add3A_36 = arith.constant 896 : i32
    %add3A_37 = arith.addi %mul3A_35, %add3A_36 : i32
    "tpu.region"() ({
      %run_scoped3A = tpu.sem_alloc : memref<!tpu.dma_semaphore, #tpu.memory_space<semaphore_mem>>
      %dma_start3A = arith.constant 0 : i32
      %dma_start3A_66 = tpu.memref_slice %arg7[%add3A_37, %dma_start3A] : memref<20480x16xf32, #tpu.memory_space<vmem_shared>> -> memref<128x16xf32, #tpu.memory_space<vmem_shared>>
      %dma_start3A_67 = arith.constant 0 : i32
      %dma_start3A_68 = tpu.memref_slice %arg7[%add3A_37, %dma_start3A_67] : memref<20480x16xf32, #tpu.memory_space<vmem_shared>> -> memref<128x16xf32, #tpu.memory_space<vmem_shared>>
      tpu.enqueue_dma source(%arg6 : memref<128x16xf32, #tpu.memory_space<vmem>>) target(%dma_start3A_68 : memref<128x16xf32, #tpu.memory_space<vmem_shared>>) target_semaphore(%run_scoped3A : memref<!tpu.dma_semaphore, #tpu.memory_space<semaphore_mem>>)
      %dma_wait3A = arith.constant 0 : i32
      %dma_wait3A_69 = tpu.memref_slice %arg7[%add3A_37, %dma_wait3A] : memref<20480x16xf32, #tpu.memory_space<vmem_shared>> -> memref<128x16xf32, #tpu.memory_space<vmem_shared>>
      %dma_wait3A_70 = arith.constant 0 : i32
      %dma_wait3A_71 = tpu.memref_slice %arg7[%add3A_37, %dma_wait3A_70] : memref<20480x16xf32, #tpu.memory_space<vmem_shared>> -> memref<128x16xf32, #tpu.memory_space<vmem_shared>>
      tpu.wait_dma2 semaphore(%run_scoped3A : memref<!tpu.dma_semaphore, #tpu.memory_space<semaphore_mem>>) src(%arg6 : memref<128x16xf32, #tpu.memory_space<vmem>>) dst(%dma_wait3A_71 : memref<128x16xf32, #tpu.memory_space<vmem_shared>>)
      tpu.yield
    }) : () -> ()
    %mul3A_38 = arith.constant 1280 : i32
    %mul3A_39 = arith.muli %arg1, %mul3A_38 : i32
    %add3A_40 = arith.constant 1024 : i32
    %add3A_41 = arith.addi %mul3A_39, %add3A_40 : i32
    "tpu.region"() ({
      %run_scoped3A = tpu.sem_alloc : memref<!tpu.dma_semaphore, #tpu.memory_space<semaphore_mem>>
      %dma_start3A = arith.constant 0 : i32
      %dma_start3A_66 = tpu.memref_slice %arg7[%add3A_41, %dma_start3A] : memref<20480x16xf32, #tpu.memory_space<vmem_shared>> -> memref<128x16xf32, #tpu.memory_space<vmem_shared>>
      %dma_start3A_67 = arith.constant 0 : i32
      %dma_start3A_68 = tpu.memref_slice %arg7[%add3A_41, %dma_start3A_67] : memref<20480x16xf32, #tpu.memory_space<vmem_shared>> -> memref<128x16xf32, #tpu.memory_space<vmem_shared>>
      tpu.enqueue_dma source(%arg6 : memref<128x16xf32, #tpu.memory_space<vmem>>) target(%dma_start3A_68 : memref<128x16xf32, #tpu.memory_space<vmem_shared>>) target_semaphore(%run_scoped3A : memref<!tpu.dma_semaphore, #tpu.memory_space<semaphore_mem>>)
      %dma_wait3A = arith.constant 0 : i32
      %dma_wait3A_69 = tpu.memref_slice %arg7[%add3A_41, %dma_wait3A] : memref<20480x16xf32, #tpu.memory_space<vmem_shared>> -> memref<128x16xf32, #tpu.memory_space<vmem_shared>>
      %dma_wait3A_70 = arith.constant 0 : i32
      %dma_wait3A_71 = tpu.memref_slice %arg7[%add3A_41, %dma_wait3A_70] : memref<20480x16xf32, #tpu.memory_space<vmem_shared>> -> memref<128x16xf32, #tpu.memory_space<vmem_shared>>
      tpu.wait_dma2 semaphore(%run_scoped3A : memref<!tpu.dma_semaphore, #tpu.memory_space<semaphore_mem>>) src(%arg6 : memref<128x16xf32, #tpu.memory_space<vmem>>) dst(%dma_wait3A_71 : memref<128x16xf32, #tpu.memory_space<vmem_shared>>)
      tpu.yield
    }) : () -> ()
    %mul3A_42 = arith.constant 1280 : i32
    %mul3A_43 = arith.muli %arg1, %mul3A_42 : i32
    %add3A_44 = arith.constant 1152 : i32
    %add3A_45 = arith.addi %mul3A_43, %add3A_44 : i32
    "tpu.region"() ({
      %run_scoped3A = tpu.sem_alloc : memref<!tpu.dma_semaphore, #tpu.memory_space<semaphore_mem>>
      %dma_start3A = arith.constant 0 : i32
      %dma_start3A_66 = tpu.memref_slice %arg7[%add3A_45, %dma_start3A] : memref<20480x16xf32, #tpu.memory_space<vmem_shared>> -> memref<128x16xf32, #tpu.memory_space<vmem_shared>>
      %dma_start3A_67 = arith.constant 0 : i32
      %dma_start3A_68 = tpu.memref_slice %arg7[%add3A_45, %dma_start3A_67] : memref<20480x16xf32, #tpu.memory_space<vmem_shared>> -> memref<128x16xf32, #tpu.memory_space<vmem_shared>>
      tpu.enqueue_dma source(%arg6 : memref<128x16xf32, #tpu.memory_space<vmem>>) target(%dma_start3A_68 : memref<128x16xf32, #tpu.memory_space<vmem_shared>>) target_semaphore(%run_scoped3A : memref<!tpu.dma_semaphore, #tpu.memory_space<semaphore_mem>>)
      %dma_wait3A = arith.constant 0 : i32
      %dma_wait3A_69 = tpu.memref_slice %arg7[%add3A_45, %dma_wait3A] : memref<20480x16xf32, #tpu.memory_space<vmem_shared>> -> memref<128x16xf32, #tpu.memory_space<vmem_shared>>
      %dma_wait3A_70 = arith.constant 0 : i32
      %dma_wait3A_71 = tpu.memref_slice %arg7[%add3A_45, %dma_wait3A_70] : memref<20480x16xf32, #tpu.memory_space<vmem_shared>> -> memref<128x16xf32, #tpu.memory_space<vmem_shared>>
      tpu.wait_dma2 semaphore(%run_scoped3A : memref<!tpu.dma_semaphore, #tpu.memory_space<semaphore_mem>>) src(%arg6 : memref<128x16xf32, #tpu.memory_space<vmem>>) dst(%dma_wait3A_71 : memref<128x16xf32, #tpu.memory_space<vmem_shared>>)
      tpu.yield
    }) : () -> ()
    %barrier3A = arith.constant 0 : index
    tpu.barrier barrier_id(%barrier3A)
    %mul3A_46 = arith.constant 16 : i32
    %mul3A_47 = arith.muli %arg0, %mul3A_46 : i32
    %add3A_48 = arith.addi %mul3A_47, %arg1 : i32
    %mul3A_49 = arith.constant 128 : i32
    %mul3A_50 = arith.muli %add3A_48, %mul3A_49 : i32
    "tpu.region"() ({
      %run_scoped3A = tpu.sem_alloc : memref<!tpu.dma_semaphore, #tpu.memory_space<semaphore_mem>>
      %dma_start3A = arith.constant 0 : i32
      %dma_start3A_66 = tpu.memref_slice %arg2[%mul3A_50, %dma_start3A] : memref<4096x128xi32, #tpu.memory_space<hbm>> -> memref<128x128xi32, #tpu.memory_space<hbm>>
      %dma_start3A_67 = arith.constant 0 : i32
      %dma_start3A_68 = tpu.memref_slice %arg2[%mul3A_50, %dma_start3A_67] : memref<4096x128xi32, #tpu.memory_space<hbm>> -> memref<128x128xi32, #tpu.memory_space<hbm>>
      tpu.enqueue_dma source(%dma_start3A_68 : memref<128x128xi32, #tpu.memory_space<hbm>>) target(%arg4 : memref<128x128xi32, #tpu.memory_space<vmem>>) target_semaphore(%run_scoped3A : memref<!tpu.dma_semaphore, #tpu.memory_space<semaphore_mem>>)
      %dma_wait3A = arith.constant 0 : i32
      %dma_wait3A_69 = tpu.memref_slice %arg2[%mul3A_50, %dma_wait3A] : memref<4096x128xi32, #tpu.memory_space<hbm>> -> memref<128x128xi32, #tpu.memory_space<hbm>>
      %dma_wait3A_70 = arith.constant 0 : i32
      %dma_wait3A_71 = tpu.memref_slice %arg2[%mul3A_50, %dma_wait3A_70] : memref<4096x128xi32, #tpu.memory_space<hbm>> -> memref<128x128xi32, #tpu.memory_space<hbm>>
      tpu.wait_dma2 semaphore(%run_scoped3A : memref<!tpu.dma_semaphore, #tpu.memory_space<semaphore_mem>>) src(%dma_wait3A_71 : memref<128x128xi32, #tpu.memory_space<hbm>>) dst(%arg4 : memref<128x128xi32, #tpu.memory_space<vmem>>)
      tpu.yield
    }) : () -> ()
    %scan3A_51 = arith.constant 0 : i32
    %scan3A_52 = arith.constant 0 : i32
    %scan3A_53 = arith.constant 128 : i32
    %scan3A_54 = arith.addi %scan3A_52, %scan3A_53 : i32
    %scan3A_55 = arith.constant 1 : i32
    scf.for %scan3A_66 = %scan3A_52 to %scan3A_54 step %scan3A_55  : i32 {
      %dma_start3A = arith.constant 0 : i32
      %dma_start3A_67 = tpu.memref_slice %arg4[%scan3A_66, %dma_start3A] : memref<128x128xi32, #tpu.memory_space<vmem>> -> memref<1x128xi32, #tpu.memory_space<vmem>>
      %dma_start3A_68 = tpu.memref_squeeze %dma_start3A_67 : memref<1x128xi32, #tpu.memory_space<vmem>> -> memref<128xi32, #tpu.memory_space<vmem>>
      %dma_start3A_69 = arith.constant 0 : i32
      %dma_start3A_70 = arith.constant 0 : i32
      %dma_start3A_71 = tpu.memref_slice %arg7[%dma_start3A_69, %dma_start3A_70] : memref<20480x16xf32, #tpu.memory_space<vmem_shared>> -> memref<20480x16xf32, #tpu.memory_space<vmem_shared>>
      tpu.enqueue_indirect_dma source(%arg5 : memref<128x16xf32, #tpu.memory_space<vmem>>) target(%dma_start3A_71 : memref<20480x16xf32, #tpu.memory_space<vmem_shared>>) offsets(%dma_start3A_68 : memref<128xi32, #tpu.memory_space<vmem>>) semaphore(%arg8 : memref<!tpu.dma_semaphore, #tpu.memory_space<semaphore_mem>>) {add = true}
    }
    %scan3A_56 = arith.constant 128 : i32
    %scan3A_57 = arith.constant 0 : i32
    %scan3A_58 = arith.constant 0 : i32
    %scan3A_59 = arith.constant 128 : i32
    %scan3A_60 = arith.addi %scan3A_58, %scan3A_59 : i32
    %scan3A_61 = arith.constant 1 : i32
    scf.for %scan3A_66 = %scan3A_58 to %scan3A_60 step %scan3A_61  : i32 {
      %dma_wait3A = arith.constant 0 : i32
      %dma_wait3A_67 = arith.constant 0 : i32
      %dma_wait3A_68 = tpu.memref_slice %arg4[%dma_wait3A, %dma_wait3A_67] : memref<128x128xi32, #tpu.memory_space<vmem>> -> memref<1x128xi32, #tpu.memory_space<vmem>>
      %dma_wait3A_69 = tpu.memref_squeeze %dma_wait3A_68 : memref<1x128xi32, #tpu.memory_space<vmem>> -> memref<128xi32, #tpu.memory_space<vmem>>
      %dma_wait3A_70 = arith.constant 0 : i32
      %dma_wait3A_71 = arith.constant 0 : i32
      %dma_wait3A_72 = tpu.memref_slice %arg7[%dma_wait3A_70, %dma_wait3A_71] : memref<20480x16xf32, #tpu.memory_space<vmem_shared>> -> memref<20480x16xf32, #tpu.memory_space<vmem_shared>>
      tpu.wait_indirect_dma semaphore(%arg8 : memref<!tpu.dma_semaphore, #tpu.memory_space<semaphore_mem>>) src(%arg5 : memref<128x16xf32, #tpu.memory_space<vmem>>) dst(%dma_wait3A_72 : memref<20480x16xf32, #tpu.memory_space<vmem_shared>>)
    }
    %scan3A_62 = arith.constant 128 : i32
    %barrier3A_63 = arith.constant 0 : index
    tpu.barrier barrier_id(%barrier3A_63)
    %mul3A_64 = arith.constant 1280 : i32
    %mul3A_65 = arith.muli %arg1, %mul3A_64 : i32
    "tpu.region"() ({
      %run_scoped3A = tpu.sem_alloc : memref<!tpu.dma_semaphore, #tpu.memory_space<semaphore_mem>>
      %dma_start3A = arith.constant 0 : i32
      %dma_start3A_66 = tpu.memref_slice %arg3[%arg0, %mul3A_65, %dma_start3A] : memref<2x20480x16xf32, #tpu.memory_space<hbm>> -> memref<1x1280x16xf32, #tpu.memory_space<hbm>>
      %dma_start3A_67 = tpu.memref_squeeze %dma_start3A_66 : memref<1x1280x16xf32, #tpu.memory_space<hbm>> -> memref<1280x16xf32, #tpu.memory_space<hbm>>
      %dma_start3A_68 = arith.constant 0 : i32
      %dma_start3A_69 = tpu.memref_slice %arg7[%mul3A_65, %dma_start3A_68] : memref<20480x16xf32, #tpu.memory_space<vmem_shared>> -> memref<1280x16xf32, #tpu.memory_space<vmem_shared>>
      tpu.enqueue_dma source(%dma_start3A_69 : memref<1280x16xf32, #tpu.memory_space<vmem_shared>>) target(%dma_start3A_67 : memref<1280x16xf32, #tpu.memory_space<hbm>>) target_semaphore(%run_scoped3A : memref<!tpu.dma_semaphore, #tpu.memory_space<semaphore_mem>>)
      %dma_wait3A = arith.constant 0 : i32
      %dma_wait3A_70 = tpu.memref_slice %arg3[%arg0, %mul3A_65, %dma_wait3A] : memref<2x20480x16xf32, #tpu.memory_space<hbm>> -> memref<1x1280x16xf32, #tpu.memory_space<hbm>>
      %dma_wait3A_71 = tpu.memref_squeeze %dma_wait3A_70 : memref<1x1280x16xf32, #tpu.memory_space<hbm>> -> memref<1280x16xf32, #tpu.memory_space<hbm>>
      %dma_wait3A_72 = arith.constant 0 : i32
      %dma_wait3A_73 = tpu.memref_slice %arg7[%mul3A_65, %dma_wait3A_72] : memref<20480x16xf32, #tpu.memory_space<vmem_shared>> -> memref<1280x16xf32, #tpu.memory_space<vmem_shared>>
      tpu.wait_dma2 semaphore(%run_scoped3A : memref<!tpu.dma_semaphore, #tpu.memory_space<semaphore_mem>>) src(%dma_wait3A_73 : memref<1280x16xf32, #tpu.memory_space<vmem_shared>>) dst(%dma_wait3A_71 : memref<1280x16xf32, #tpu.memory_space<hbm>>)
      tpu.yield
    }) : () -> ()
    return
  }
}

#map = affine_map<(d0, d1) -> (0, 0)>
#map1 = affine_map<(d0, d1) -> (0, 0, 0)>
module attributes {stable_mosaic.version = 14 : i64} {
  func.func @layer(%arg0: i32, %arg1: i32, %arg2: memref<20480x64xf32, #tpu.memory_space<hbm>>, %arg3: memref<4096x128xi32, #tpu.memory_space<hbm>>, %arg4: memref<4096x128xi32, #tpu.memory_space<hbm>>, %arg5: memref<1280x64xf32, #tpu.memory_space<hbm>>, %arg6: memref<2x20480x64xf32, #tpu.memory_space<hbm>>, %arg7: memref<32x128xi32, #tpu.memory_space<vmem>>, %arg8: memref<32x128xi32, #tpu.memory_space<vmem>>, %arg9: memref<128x64xf32, #tpu.memory_space<vmem>>, %arg10: memref<128x64xf32, #tpu.memory_space<vmem>>, %arg11: memref<128x64xf32, #tpu.memory_space<vmem>>, %arg12: memref<128x64xf32, #tpu.memory_space<vmem>>, %arg13: memref<!tpu.dma_semaphore, #tpu.memory_space<semaphore_mem>>, %arg14: memref<!tpu.dma_semaphore, #tpu.memory_space<semaphore_mem>>, %arg15: memref<!tpu.dma_semaphore, #tpu.memory_space<semaphore_mem>>, %arg16: memref<!tpu.dma_semaphore, #tpu.memory_space<semaphore_mem>>, %arg17: memref<!tpu.dma_semaphore, #tpu.memory_space<semaphore_mem>>, %arg18: memref<!tpu.dma_semaphore, #tpu.memory_space<semaphore_mem>>, %arg19: memref<!tpu.dma_semaphore, #tpu.memory_space<semaphore_mem>>, %arg20: memref<!tpu.dma_semaphore, #tpu.memory_space<semaphore_mem>>, %arg21: memref<20480x64xf32, #tpu.memory_space<vmem_shared>>) attributes {dimension_semantics = [#tpu.dimension_semantics<core_parallel>, #tpu.dimension_semantics<subcore_parallel>], iteration_bounds = array<i64: 2, 16>, scalar_prefetch = 0 : i64, scratch_operands = 15 : i64, tpu.core_type = #tpu.core_type<sc_vector_subcore>, window_params = [{transform_indices = #map}, {transform_indices = #map}, {transform_indices = #map}, {transform_indices = #map}, {transform_indices = #map1}]} {
    %mul3A = arith.constant 1280 : i32
    %mul3A_0 = arith.muli %arg1, %mul3A : i32
    "tpu.region"() ({
      %run_scoped3A = tpu.sem_alloc : memref<!tpu.dma_semaphore, #tpu.memory_space<semaphore_mem>>
      %dma_start3A = arith.constant 0 : i32
      %dma_start3A_13 = tpu.memref_slice %arg21[%mul3A_0, %dma_start3A] : memref<20480x64xf32, #tpu.memory_space<vmem_shared>> -> memref<1280x64xf32, #tpu.memory_space<vmem_shared>>
      tpu.enqueue_dma source(%arg5 : memref<1280x64xf32, #tpu.memory_space<hbm>>) target(%dma_start3A_13 : memref<1280x64xf32, #tpu.memory_space<vmem_shared>>) target_semaphore(%run_scoped3A : memref<!tpu.dma_semaphore, #tpu.memory_space<semaphore_mem>>)
      %dma_wait3A = arith.constant 0 : i32
      %dma_wait3A_14 = tpu.memref_slice %arg21[%mul3A_0, %dma_wait3A] : memref<20480x64xf32, #tpu.memory_space<vmem_shared>> -> memref<1280x64xf32, #tpu.memory_space<vmem_shared>>
      tpu.wait_dma2 semaphore(%run_scoped3A : memref<!tpu.dma_semaphore, #tpu.memory_space<semaphore_mem>>) src(%arg5 : memref<1280x64xf32, #tpu.memory_space<hbm>>) dst(%dma_wait3A_14 : memref<1280x64xf32, #tpu.memory_space<vmem_shared>>)
      tpu.yield
    }) : () -> ()
    %barrier3A = arith.constant 0 : index
    tpu.barrier barrier_id(%barrier3A)
    %mul3A_1 = arith.constant 16 : i32
    %mul3A_2 = arith.muli %arg0, %mul3A_1 : i32
    %add3A = arith.addi %mul3A_2, %arg1 : i32
    %mul3A_3 = arith.constant 128 : i32
    %mul3A_4 = arith.muli %add3A, %mul3A_3 : i32
    %scan3A = arith.constant 0 : i32
    %scan3A_5 = arith.constant 0 : i32
    %scan3A_6 = arith.constant 4 : i32
    %scan3A_7 = arith.addi %scan3A_5, %scan3A_6 : i32
    %scan3A_8 = arith.constant 1 : i32
    scf.for %scan3A_13 = %scan3A_5 to %scan3A_7 step %scan3A_8  : i32 {
      %mul3A_14 = arith.constant 32 : i32
      %mul3A_15 = arith.muli %scan3A_13, %mul3A_14 : i32
      %add3A_16 = arith.addi %mul3A_4, %mul3A_15 : i32
      "tpu.region"() ({
        %run_scoped3A = tpu.sem_alloc : memref<!tpu.dma_semaphore, #tpu.memory_space<semaphore_mem>>
        %dma_start3A = arith.constant 0 : i32
        %dma_start3A_53 = tpu.memref_slice %arg3[%add3A_16, %dma_start3A] : memref<4096x128xi32, #tpu.memory_space<hbm>> -> memref<32x128xi32, #tpu.memory_space<hbm>>
        %dma_start3A_54 = arith.constant 0 : i32
        %dma_start3A_55 = tpu.memref_slice %arg3[%add3A_16, %dma_start3A_54] : memref<4096x128xi32, #tpu.memory_space<hbm>> -> memref<32x128xi32, #tpu.memory_space<hbm>>
        tpu.enqueue_dma source(%dma_start3A_55 : memref<32x128xi32, #tpu.memory_space<hbm>>) target(%arg7 : memref<32x128xi32, #tpu.memory_space<vmem>>) target_semaphore(%run_scoped3A : memref<!tpu.dma_semaphore, #tpu.memory_space<semaphore_mem>>)
        %dma_wait3A_56 = arith.constant 0 : i32
        %dma_wait3A_57 = tpu.memref_slice %arg3[%add3A_16, %dma_wait3A_56] : memref<4096x128xi32, #tpu.memory_space<hbm>> -> memref<32x128xi32, #tpu.memory_space<hbm>>
        %dma_wait3A_58 = arith.constant 0 : i32
        %dma_wait3A_59 = tpu.memref_slice %arg3[%add3A_16, %dma_wait3A_58] : memref<4096x128xi32, #tpu.memory_space<hbm>> -> memref<32x128xi32, #tpu.memory_space<hbm>>
        tpu.wait_dma2 semaphore(%run_scoped3A : memref<!tpu.dma_semaphore, #tpu.memory_space<semaphore_mem>>) src(%dma_wait3A_59 : memref<32x128xi32, #tpu.memory_space<hbm>>) dst(%arg7 : memref<32x128xi32, #tpu.memory_space<vmem>>)
        tpu.yield
      }) : () -> ()
      %mul3A_17 = arith.constant 32 : i32
      %mul3A_18 = arith.muli %scan3A_13, %mul3A_17 : i32
      %add3A_19 = arith.addi %mul3A_4, %mul3A_18 : i32
      "tpu.region"() ({
        %run_scoped3A = tpu.sem_alloc : memref<!tpu.dma_semaphore, #tpu.memory_space<semaphore_mem>>
        %dma_start3A = arith.constant 0 : i32
        %dma_start3A_53 = tpu.memref_slice %arg4[%add3A_19, %dma_start3A] : memref<4096x128xi32, #tpu.memory_space<hbm>> -> memref<32x128xi32, #tpu.memory_space<hbm>>
        %dma_start3A_54 = arith.constant 0 : i32
        %dma_start3A_55 = tpu.memref_slice %arg4[%add3A_19, %dma_start3A_54] : memref<4096x128xi32, #tpu.memory_space<hbm>> -> memref<32x128xi32, #tpu.memory_space<hbm>>
        tpu.enqueue_dma source(%dma_start3A_55 : memref<32x128xi32, #tpu.memory_space<hbm>>) target(%arg8 : memref<32x128xi32, #tpu.memory_space<vmem>>) target_semaphore(%run_scoped3A : memref<!tpu.dma_semaphore, #tpu.memory_space<semaphore_mem>>)
        %dma_wait3A_56 = arith.constant 0 : i32
        %dma_wait3A_57 = tpu.memref_slice %arg4[%add3A_19, %dma_wait3A_56] : memref<4096x128xi32, #tpu.memory_space<hbm>> -> memref<32x128xi32, #tpu.memory_space<hbm>>
        %dma_wait3A_58 = arith.constant 0 : i32
        %dma_wait3A_59 = tpu.memref_slice %arg4[%add3A_19, %dma_wait3A_58] : memref<4096x128xi32, #tpu.memory_space<hbm>> -> memref<32x128xi32, #tpu.memory_space<hbm>>
        tpu.wait_dma2 semaphore(%run_scoped3A : memref<!tpu.dma_semaphore, #tpu.memory_space<semaphore_mem>>) src(%dma_wait3A_59 : memref<32x128xi32, #tpu.memory_space<hbm>>) dst(%arg8 : memref<32x128xi32, #tpu.memory_space<vmem>>)
        tpu.yield
      }) : () -> ()
      %scan3A_20 = arith.constant 0 : i32
      %scan3A_21 = arith.constant 0 : i32
      %scan3A_22 = arith.constant 8 : i32
      %scan3A_23 = arith.addi %scan3A_21, %scan3A_22 : i32
      %scan3A_24 = arith.constant 1 : i32
      scf.for %scan3A_53 = %scan3A_21 to %scan3A_23 step %scan3A_24  : i32 {
        %mul3A_54 = arith.constant 4 : i32
        %mul3A_55 = arith.muli %scan3A_53, %mul3A_54 : i32
        %gt3A = arith.constant 0 : i32
        %gt3A_56 = arith.cmpi sgt, %scan3A_53, %gt3A : i32
        %convert_element_type3A = arith.extui %gt3A_56 : i1 to i32
        %cond3A = arith.constant 0 : i32
        %cond3A_57 = arith.cmpi ne, %convert_element_type3A, %cond3A : i32
        scf.if %cond3A_57 {
          %add3A_168 = arith.constant 0 : i32
          %add3A_169 = arith.addi %mul3A_55, %add3A_168 : i32
          %dma_wait3A_170 = arith.constant 0 : i32
          %dma_wait3A_171 = tpu.memref_slice %arg8[%add3A_169, %dma_wait3A_170] : memref<32x128xi32, #tpu.memory_space<vmem>> -> memref<1x128xi32, #tpu.memory_space<vmem>>
          %dma_wait3A_172 = tpu.memref_squeeze %dma_wait3A_171 : memref<1x128xi32, #tpu.memory_space<vmem>> -> memref<128xi32, #tpu.memory_space<vmem>>
          %dma_wait3A_173 = arith.constant 0 : i32
          %dma_wait3A_174 = arith.constant 0 : i32
          %dma_wait3A_175 = tpu.memref_slice %arg21[%dma_wait3A_173, %dma_wait3A_174] : memref<20480x64xf32, #tpu.memory_space<vmem_shared>> -> memref<20480x64xf32, #tpu.memory_space<vmem_shared>>
          tpu.wait_indirect_dma semaphore(%arg17 : memref<!tpu.dma_semaphore, #tpu.memory_space<semaphore_mem>>) src(%arg9 : memref<128x64xf32, #tpu.memory_space<vmem>>) dst(%dma_wait3A_175 : memref<20480x64xf32, #tpu.memory_space<vmem_shared>>)
        } else {
        }
        %add3A_58 = arith.constant 0 : i32
        %add3A_59 = arith.addi %mul3A_55, %add3A_58 : i32
        %dma_start3A = arith.constant 0 : i32
        %dma_start3A_60 = tpu.memref_slice %arg7[%add3A_59, %dma_start3A] : memref<32x128xi32, #tpu.memory_space<vmem>> -> memref<1x128xi32, #tpu.memory_space<vmem>>
        %dma_start3A_61 = tpu.memref_squeeze %dma_start3A_60 : memref<1x128xi32, #tpu.memory_space<vmem>> -> memref<128xi32, #tpu.memory_space<vmem>>
        %dma_start3A_62 = arith.constant 0 : i32
        %dma_start3A_63 = arith.constant 0 : i32
        %dma_start3A_64 = tpu.memref_slice %arg2[%dma_start3A_62, %dma_start3A_63] : memref<20480x64xf32, #tpu.memory_space<hbm>> -> memref<20480x64xf32, #tpu.memory_space<hbm>>
        tpu.enqueue_indirect_dma source(%dma_start3A_64 : memref<20480x64xf32, #tpu.memory_space<hbm>>) target(%arg9 : memref<128x64xf32, #tpu.memory_space<vmem>>) offsets(%dma_start3A_61 : memref<128xi32, #tpu.memory_space<vmem>>) semaphore(%arg13 : memref<!tpu.dma_semaphore, #tpu.memory_space<semaphore_mem>>)
        %gt3A_65 = arith.constant 0 : i32
        %gt3A_66 = arith.cmpi sgt, %scan3A_53, %gt3A_65 : i32
        %convert_element_type3A_67 = arith.extui %gt3A_66 : i1 to i32
        %cond3A_68 = arith.constant 0 : i32
        %cond3A_69 = arith.cmpi ne, %convert_element_type3A_67, %cond3A_68 : i32
        scf.if %cond3A_69 {
          %add3A_168 = arith.constant 1 : i32
          %add3A_169 = arith.addi %mul3A_55, %add3A_168 : i32
          %dma_wait3A_170 = arith.constant 0 : i32
          %dma_wait3A_171 = tpu.memref_slice %arg8[%add3A_169, %dma_wait3A_170] : memref<32x128xi32, #tpu.memory_space<vmem>> -> memref<1x128xi32, #tpu.memory_space<vmem>>
          %dma_wait3A_172 = tpu.memref_squeeze %dma_wait3A_171 : memref<1x128xi32, #tpu.memory_space<vmem>> -> memref<128xi32, #tpu.memory_space<vmem>>
          %dma_wait3A_173 = arith.constant 0 : i32
          %dma_wait3A_174 = arith.constant 0 : i32
          %dma_wait3A_175 = tpu.memref_slice %arg21[%dma_wait3A_173, %dma_wait3A_174] : memref<20480x64xf32, #tpu.memory_space<vmem_shared>> -> memref<20480x64xf32, #tpu.memory_space<vmem_shared>>
          tpu.wait_indirect_dma semaphore(%arg18 : memref<!tpu.dma_semaphore, #tpu.memory_space<semaphore_mem>>) src(%arg10 : memref<128x64xf32, #tpu.memory_space<vmem>>) dst(%dma_wait3A_175 : memref<20480x64xf32, #tpu.memory_space<vmem_shared>>)
        } else {
        }
        %add3A_70 = arith.constant 1 : i32
        %add3A_71 = arith.addi %mul3A_55, %add3A_70 : i32
        %dma_start3A_72 = arith.constant 0 : i32
        %dma_start3A_73 = tpu.memref_slice %arg7[%add3A_71, %dma_start3A_72] : memref<32x128xi32, #tpu.memory_space<vmem>> -> memref<1x128xi32, #tpu.memory_space<vmem>>
        %dma_start3A_74 = tpu.memref_squeeze %dma_start3A_73 : memref<1x128xi32, #tpu.memory_space<vmem>> -> memref<128xi32, #tpu.memory_space<vmem>>
        %dma_start3A_75 = arith.constant 0 : i32
        %dma_start3A_76 = arith.constant 0 : i32
        %dma_start3A_77 = tpu.memref_slice %arg2[%dma_start3A_75, %dma_start3A_76] : memref<20480x64xf32, #tpu.memory_space<hbm>> -> memref<20480x64xf32, #tpu.memory_space<hbm>>
        tpu.enqueue_indirect_dma source(%dma_start3A_77 : memref<20480x64xf32, #tpu.memory_space<hbm>>) target(%arg10 : memref<128x64xf32, #tpu.memory_space<vmem>>) offsets(%dma_start3A_74 : memref<128xi32, #tpu.memory_space<vmem>>) semaphore(%arg14 : memref<!tpu.dma_semaphore, #tpu.memory_space<semaphore_mem>>)
        %gt3A_78 = arith.constant 0 : i32
        %gt3A_79 = arith.cmpi sgt, %scan3A_53, %gt3A_78 : i32
        %convert_element_type3A_80 = arith.extui %gt3A_79 : i1 to i32
        %cond3A_81 = arith.constant 0 : i32
        %cond3A_82 = arith.cmpi ne, %convert_element_type3A_80, %cond3A_81 : i32
        scf.if %cond3A_82 {
          %add3A_168 = arith.constant 2 : i32
          %add3A_169 = arith.addi %mul3A_55, %add3A_168 : i32
          %dma_wait3A_170 = arith.constant 0 : i32
          %dma_wait3A_171 = tpu.memref_slice %arg8[%add3A_169, %dma_wait3A_170] : memref<32x128xi32, #tpu.memory_space<vmem>> -> memref<1x128xi32, #tpu.memory_space<vmem>>
          %dma_wait3A_172 = tpu.memref_squeeze %dma_wait3A_171 : memref<1x128xi32, #tpu.memory_space<vmem>> -> memref<128xi32, #tpu.memory_space<vmem>>
          %dma_wait3A_173 = arith.constant 0 : i32
          %dma_wait3A_174 = arith.constant 0 : i32
          %dma_wait3A_175 = tpu.memref_slice %arg21[%dma_wait3A_173, %dma_wait3A_174] : memref<20480x64xf32, #tpu.memory_space<vmem_shared>> -> memref<20480x64xf32, #tpu.memory_space<vmem_shared>>
          tpu.wait_indirect_dma semaphore(%arg19 : memref<!tpu.dma_semaphore, #tpu.memory_space<semaphore_mem>>) src(%arg11 : memref<128x64xf32, #tpu.memory_space<vmem>>) dst(%dma_wait3A_175 : memref<20480x64xf32, #tpu.memory_space<vmem_shared>>)
        } else {
        }
        %add3A_83 = arith.constant 2 : i32
        %add3A_84 = arith.addi %mul3A_55, %add3A_83 : i32
        %dma_start3A_85 = arith.constant 0 : i32
        %dma_start3A_86 = tpu.memref_slice %arg7[%add3A_84, %dma_start3A_85] : memref<32x128xi32, #tpu.memory_space<vmem>> -> memref<1x128xi32, #tpu.memory_space<vmem>>
        %dma_start3A_87 = tpu.memref_squeeze %dma_start3A_86 : memref<1x128xi32, #tpu.memory_space<vmem>> -> memref<128xi32, #tpu.memory_space<vmem>>
        %dma_start3A_88 = arith.constant 0 : i32
        %dma_start3A_89 = arith.constant 0 : i32
        %dma_start3A_90 = tpu.memref_slice %arg2[%dma_start3A_88, %dma_start3A_89] : memref<20480x64xf32, #tpu.memory_space<hbm>> -> memref<20480x64xf32, #tpu.memory_space<hbm>>
        tpu.enqueue_indirect_dma source(%dma_start3A_90 : memref<20480x64xf32, #tpu.memory_space<hbm>>) target(%arg11 : memref<128x64xf32, #tpu.memory_space<vmem>>) offsets(%dma_start3A_87 : memref<128xi32, #tpu.memory_space<vmem>>) semaphore(%arg15 : memref<!tpu.dma_semaphore, #tpu.memory_space<semaphore_mem>>)
        %gt3A_91 = arith.constant 0 : i32
        %gt3A_92 = arith.cmpi sgt, %scan3A_53, %gt3A_91 : i32
        %convert_element_type3A_93 = arith.extui %gt3A_92 : i1 to i32
        %cond3A_94 = arith.constant 0 : i32
        %cond3A_95 = arith.cmpi ne, %convert_element_type3A_93, %cond3A_94 : i32
        scf.if %cond3A_95 {
          %add3A_168 = arith.constant 3 : i32
          %add3A_169 = arith.addi %mul3A_55, %add3A_168 : i32
          %dma_wait3A_170 = arith.constant 0 : i32
          %dma_wait3A_171 = tpu.memref_slice %arg8[%add3A_169, %dma_wait3A_170] : memref<32x128xi32, #tpu.memory_space<vmem>> -> memref<1x128xi32, #tpu.memory_space<vmem>>
          %dma_wait3A_172 = tpu.memref_squeeze %dma_wait3A_171 : memref<1x128xi32, #tpu.memory_space<vmem>> -> memref<128xi32, #tpu.memory_space<vmem>>
          %dma_wait3A_173 = arith.constant 0 : i32
          %dma_wait3A_174 = arith.constant 0 : i32
          %dma_wait3A_175 = tpu.memref_slice %arg21[%dma_wait3A_173, %dma_wait3A_174] : memref<20480x64xf32, #tpu.memory_space<vmem_shared>> -> memref<20480x64xf32, #tpu.memory_space<vmem_shared>>
          tpu.wait_indirect_dma semaphore(%arg20 : memref<!tpu.dma_semaphore, #tpu.memory_space<semaphore_mem>>) src(%arg12 : memref<128x64xf32, #tpu.memory_space<vmem>>) dst(%dma_wait3A_175 : memref<20480x64xf32, #tpu.memory_space<vmem_shared>>)
        } else {
        }
        %add3A_96 = arith.constant 3 : i32
        %add3A_97 = arith.addi %mul3A_55, %add3A_96 : i32
        %dma_start3A_98 = arith.constant 0 : i32
        %dma_start3A_99 = tpu.memref_slice %arg7[%add3A_97, %dma_start3A_98] : memref<32x128xi32, #tpu.memory_space<vmem>> -> memref<1x128xi32, #tpu.memory_space<vmem>>
        %dma_start3A_100 = tpu.memref_squeeze %dma_start3A_99 : memref<1x128xi32, #tpu.memory_space<vmem>> -> memref<128xi32, #tpu.memory_space<vmem>>
        %dma_start3A_101 = arith.constant 0 : i32
        %dma_start3A_102 = arith.constant 0 : i32
        %dma_start3A_103 = tpu.memref_slice %arg2[%dma_start3A_101, %dma_start3A_102] : memref<20480x64xf32, #tpu.memory_space<hbm>> -> memref<20480x64xf32, #tpu.memory_space<hbm>>
        tpu.enqueue_indirect_dma source(%dma_start3A_103 : memref<20480x64xf32, #tpu.memory_space<hbm>>) target(%arg12 : memref<128x64xf32, #tpu.memory_space<vmem>>) offsets(%dma_start3A_100 : memref<128xi32, #tpu.memory_space<vmem>>) semaphore(%arg16 : memref<!tpu.dma_semaphore, #tpu.memory_space<semaphore_mem>>)
        %add3A_104 = arith.constant 0 : i32
        %add3A_105 = arith.addi %mul3A_55, %add3A_104 : i32
        %dma_wait3A_106 = arith.constant 0 : i32
        %dma_wait3A_107 = tpu.memref_slice %arg7[%add3A_105, %dma_wait3A_106] : memref<32x128xi32, #tpu.memory_space<vmem>> -> memref<1x128xi32, #tpu.memory_space<vmem>>
        %dma_wait3A_108 = tpu.memref_squeeze %dma_wait3A_107 : memref<1x128xi32, #tpu.memory_space<vmem>> -> memref<128xi32, #tpu.memory_space<vmem>>
        %dma_wait3A_109 = arith.constant 0 : i32
        %dma_wait3A_110 = arith.constant 0 : i32
        %dma_wait3A_111 = tpu.memref_slice %arg2[%dma_wait3A_109, %dma_wait3A_110] : memref<20480x64xf32, #tpu.memory_space<hbm>> -> memref<20480x64xf32, #tpu.memory_space<hbm>>
        tpu.wait_indirect_dma semaphore(%arg13 : memref<!tpu.dma_semaphore, #tpu.memory_space<semaphore_mem>>) src(%dma_wait3A_111 : memref<20480x64xf32, #tpu.memory_space<hbm>>) dst(%arg9 : memref<128x64xf32, #tpu.memory_space<vmem>>)
        %add3A_112 = arith.constant 0 : i32
        %add3A_113 = arith.addi %mul3A_55, %add3A_112 : i32
        %dma_start3A_114 = arith.constant 0 : i32
        %dma_start3A_115 = tpu.memref_slice %arg8[%add3A_113, %dma_start3A_114] : memref<32x128xi32, #tpu.memory_space<vmem>> -> memref<1x128xi32, #tpu.memory_space<vmem>>
        %dma_start3A_116 = tpu.memref_squeeze %dma_start3A_115 : memref<1x128xi32, #tpu.memory_space<vmem>> -> memref<128xi32, #tpu.memory_space<vmem>>
        %dma_start3A_117 = arith.constant 0 : i32
        %dma_start3A_118 = arith.constant 0 : i32
        %dma_start3A_119 = tpu.memref_slice %arg21[%dma_start3A_117, %dma_start3A_118] : memref<20480x64xf32, #tpu.memory_space<vmem_shared>> -> memref<20480x64xf32, #tpu.memory_space<vmem_shared>>
        tpu.enqueue_indirect_dma source(%arg9 : memref<128x64xf32, #tpu.memory_space<vmem>>) target(%dma_start3A_119 : memref<20480x64xf32, #tpu.memory_space<vmem_shared>>) offsets(%dma_start3A_116 : memref<128xi32, #tpu.memory_space<vmem>>) semaphore(%arg17 : memref<!tpu.dma_semaphore, #tpu.memory_space<semaphore_mem>>) {add = true}
        %add3A_120 = arith.constant 1 : i32
        %add3A_121 = arith.addi %mul3A_55, %add3A_120 : i32
        %dma_wait3A_122 = arith.constant 0 : i32
        %dma_wait3A_123 = tpu.memref_slice %arg7[%add3A_121, %dma_wait3A_122] : memref<32x128xi32, #tpu.memory_space<vmem>> -> memref<1x128xi32, #tpu.memory_space<vmem>>
        %dma_wait3A_124 = tpu.memref_squeeze %dma_wait3A_123 : memref<1x128xi32, #tpu.memory_space<vmem>> -> memref<128xi32, #tpu.memory_space<vmem>>
        %dma_wait3A_125 = arith.constant 0 : i32
        %dma_wait3A_126 = arith.constant 0 : i32
        %dma_wait3A_127 = tpu.memref_slice %arg2[%dma_wait3A_125, %dma_wait3A_126] : memref<20480x64xf32, #tpu.memory_space<hbm>> -> memref<20480x64xf32, #tpu.memory_space<hbm>>
        tpu.wait_indirect_dma semaphore(%arg14 : memref<!tpu.dma_semaphore, #tpu.memory_space<semaphore_mem>>) src(%dma_wait3A_127 : memref<20480x64xf32, #tpu.memory_space<hbm>>) dst(%arg10 : memref<128x64xf32, #tpu.memory_space<vmem>>)
        %add3A_128 = arith.constant 1 : i32
        %add3A_129 = arith.addi %mul3A_55, %add3A_128 : i32
        %dma_start3A_130 = arith.constant 0 : i32
        %dma_start3A_131 = tpu.memref_slice %arg8[%add3A_129, %dma_start3A_130] : memref<32x128xi32, #tpu.memory_space<vmem>> -> memref<1x128xi32, #tpu.memory_space<vmem>>
        %dma_start3A_132 = tpu.memref_squeeze %dma_start3A_131 : memref<1x128xi32, #tpu.memory_space<vmem>> -> memref<128xi32, #tpu.memory_space<vmem>>
        %dma_start3A_133 = arith.constant 0 : i32
        %dma_start3A_134 = arith.constant 0 : i32
        %dma_start3A_135 = tpu.memref_slice %arg21[%dma_start3A_133, %dma_start3A_134] : memref<20480x64xf32, #tpu.memory_space<vmem_shared>> -> memref<20480x64xf32, #tpu.memory_space<vmem_shared>>
        tpu.enqueue_indirect_dma source(%arg10 : memref<128x64xf32, #tpu.memory_space<vmem>>) target(%dma_start3A_135 : memref<20480x64xf32, #tpu.memory_space<vmem_shared>>) offsets(%dma_start3A_132 : memref<128xi32, #tpu.memory_space<vmem>>) semaphore(%arg18 : memref<!tpu.dma_semaphore, #tpu.memory_space<semaphore_mem>>) {add = true}
        %add3A_136 = arith.constant 2 : i32
        %add3A_137 = arith.addi %mul3A_55, %add3A_136 : i32
        %dma_wait3A_138 = arith.constant 0 : i32
        %dma_wait3A_139 = tpu.memref_slice %arg7[%add3A_137, %dma_wait3A_138] : memref<32x128xi32, #tpu.memory_space<vmem>> -> memref<1x128xi32, #tpu.memory_space<vmem>>
        %dma_wait3A_140 = tpu.memref_squeeze %dma_wait3A_139 : memref<1x128xi32, #tpu.memory_space<vmem>> -> memref<128xi32, #tpu.memory_space<vmem>>
        %dma_wait3A_141 = arith.constant 0 : i32
        %dma_wait3A_142 = arith.constant 0 : i32
        %dma_wait3A_143 = tpu.memref_slice %arg2[%dma_wait3A_141, %dma_wait3A_142] : memref<20480x64xf32, #tpu.memory_space<hbm>> -> memref<20480x64xf32, #tpu.memory_space<hbm>>
        tpu.wait_indirect_dma semaphore(%arg15 : memref<!tpu.dma_semaphore, #tpu.memory_space<semaphore_mem>>) src(%dma_wait3A_143 : memref<20480x64xf32, #tpu.memory_space<hbm>>) dst(%arg11 : memref<128x64xf32, #tpu.memory_space<vmem>>)
        %add3A_144 = arith.constant 2 : i32
        %add3A_145 = arith.addi %mul3A_55, %add3A_144 : i32
        %dma_start3A_146 = arith.constant 0 : i32
        %dma_start3A_147 = tpu.memref_slice %arg8[%add3A_145, %dma_start3A_146] : memref<32x128xi32, #tpu.memory_space<vmem>> -> memref<1x128xi32, #tpu.memory_space<vmem>>
        %dma_start3A_148 = tpu.memref_squeeze %dma_start3A_147 : memref<1x128xi32, #tpu.memory_space<vmem>> -> memref<128xi32, #tpu.memory_space<vmem>>
        %dma_start3A_149 = arith.constant 0 : i32
        %dma_start3A_150 = arith.constant 0 : i32
        %dma_start3A_151 = tpu.memref_slice %arg21[%dma_start3A_149, %dma_start3A_150] : memref<20480x64xf32, #tpu.memory_space<vmem_shared>> -> memref<20480x64xf32, #tpu.memory_space<vmem_shared>>
        tpu.enqueue_indirect_dma source(%arg11 : memref<128x64xf32, #tpu.memory_space<vmem>>) target(%dma_start3A_151 : memref<20480x64xf32, #tpu.memory_space<vmem_shared>>) offsets(%dma_start3A_148 : memref<128xi32, #tpu.memory_space<vmem>>) semaphore(%arg19 : memref<!tpu.dma_semaphore, #tpu.memory_space<semaphore_mem>>) {add = true}
        %add3A_152 = arith.constant 3 : i32
        %add3A_153 = arith.addi %mul3A_55, %add3A_152 : i32
        %dma_wait3A_154 = arith.constant 0 : i32
        %dma_wait3A_155 = tpu.memref_slice %arg7[%add3A_153, %dma_wait3A_154] : memref<32x128xi32, #tpu.memory_space<vmem>> -> memref<1x128xi32, #tpu.memory_space<vmem>>
        %dma_wait3A_156 = tpu.memref_squeeze %dma_wait3A_155 : memref<1x128xi32, #tpu.memory_space<vmem>> -> memref<128xi32, #tpu.memory_space<vmem>>
        %dma_wait3A_157 = arith.constant 0 : i32
        %dma_wait3A_158 = arith.constant 0 : i32
        %dma_wait3A_159 = tpu.memref_slice %arg2[%dma_wait3A_157, %dma_wait3A_158] : memref<20480x64xf32, #tpu.memory_space<hbm>> -> memref<20480x64xf32, #tpu.memory_space<hbm>>
        tpu.wait_indirect_dma semaphore(%arg16 : memref<!tpu.dma_semaphore, #tpu.memory_space<semaphore_mem>>) src(%dma_wait3A_159 : memref<20480x64xf32, #tpu.memory_space<hbm>>) dst(%arg12 : memref<128x64xf32, #tpu.memory_space<vmem>>)
        %add3A_160 = arith.constant 3 : i32
        %add3A_161 = arith.addi %mul3A_55, %add3A_160 : i32
        %dma_start3A_162 = arith.constant 0 : i32
        %dma_start3A_163 = tpu.memref_slice %arg8[%add3A_161, %dma_start3A_162] : memref<32x128xi32, #tpu.memory_space<vmem>> -> memref<1x128xi32, #tpu.memory_space<vmem>>
        %dma_start3A_164 = tpu.memref_squeeze %dma_start3A_163 : memref<1x128xi32, #tpu.memory_space<vmem>> -> memref<128xi32, #tpu.memory_space<vmem>>
        %dma_start3A_165 = arith.constant 0 : i32
        %dma_start3A_166 = arith.constant 0 : i32
        %dma_start3A_167 = tpu.memref_slice %arg21[%dma_start3A_165, %dma_start3A_166] : memref<20480x64xf32, #tpu.memory_space<vmem_shared>> -> memref<20480x64xf32, #tpu.memory_space<vmem_shared>>
        tpu.enqueue_indirect_dma source(%arg12 : memref<128x64xf32, #tpu.memory_space<vmem>>) target(%dma_start3A_167 : memref<20480x64xf32, #tpu.memory_space<vmem_shared>>) offsets(%dma_start3A_164 : memref<128xi32, #tpu.memory_space<vmem>>) semaphore(%arg20 : memref<!tpu.dma_semaphore, #tpu.memory_space<semaphore_mem>>) {add = true}
      }
      %scan3A_25 = arith.constant 8 : i32
      %dma_wait3A = arith.constant 28 : i32
      %dma_wait3A_26 = arith.constant 0 : i32
      %dma_wait3A_27 = tpu.memref_slice %arg8[%dma_wait3A, %dma_wait3A_26] : memref<32x128xi32, #tpu.memory_space<vmem>> -> memref<1x128xi32, #tpu.memory_space<vmem>>
      %dma_wait3A_28 = tpu.memref_squeeze %dma_wait3A_27 : memref<1x128xi32, #tpu.memory_space<vmem>> -> memref<128xi32, #tpu.memory_space<vmem>>
      %dma_wait3A_29 = arith.constant 0 : i32
      %dma_wait3A_30 = arith.constant 0 : i32
      %dma_wait3A_31 = tpu.memref_slice %arg21[%dma_wait3A_29, %dma_wait3A_30] : memref<20480x64xf32, #tpu.memory_space<vmem_shared>> -> memref<20480x64xf32, #tpu.memory_space<vmem_shared>>
      tpu.wait_indirect_dma semaphore(%arg17 : memref<!tpu.dma_semaphore, #tpu.memory_space<semaphore_mem>>) src(%arg9 : memref<128x64xf32, #tpu.memory_space<vmem>>) dst(%dma_wait3A_31 : memref<20480x64xf32, #tpu.memory_space<vmem_shared>>)
      %dma_wait3A_32 = arith.constant 29 : i32
      %dma_wait3A_33 = arith.constant 0 : i32
      %dma_wait3A_34 = tpu.memref_slice %arg8[%dma_wait3A_32, %dma_wait3A_33] : memref<32x128xi32, #tpu.memory_space<vmem>> -> memref<1x128xi32, #tpu.memory_space<vmem>>
      %dma_wait3A_35 = tpu.memref_squeeze %dma_wait3A_34 : memref<1x128xi32, #tpu.memory_space<vmem>> -> memref<128xi32, #tpu.memory_space<vmem>>
      %dma_wait3A_36 = arith.constant 0 : i32
      %dma_wait3A_37 = arith.constant 0 : i32
      %dma_wait3A_38 = tpu.memref_slice %arg21[%dma_wait3A_36, %dma_wait3A_37] : memref<20480x64xf32, #tpu.memory_space<vmem_shared>> -> memref<20480x64xf32, #tpu.memory_space<vmem_shared>>
      tpu.wait_indirect_dma semaphore(%arg18 : memref<!tpu.dma_semaphore, #tpu.memory_space<semaphore_mem>>) src(%arg10 : memref<128x64xf32, #tpu.memory_space<vmem>>) dst(%dma_wait3A_38 : memref<20480x64xf32, #tpu.memory_space<vmem_shared>>)
      %dma_wait3A_39 = arith.constant 30 : i32
      %dma_wait3A_40 = arith.constant 0 : i32
      %dma_wait3A_41 = tpu.memref_slice %arg8[%dma_wait3A_39, %dma_wait3A_40] : memref<32x128xi32, #tpu.memory_space<vmem>> -> memref<1x128xi32, #tpu.memory_space<vmem>>
      %dma_wait3A_42 = tpu.memref_squeeze %dma_wait3A_41 : memref<1x128xi32, #tpu.memory_space<vmem>> -> memref<128xi32, #tpu.memory_space<vmem>>
      %dma_wait3A_43 = arith.constant 0 : i32
      %dma_wait3A_44 = arith.constant 0 : i32
      %dma_wait3A_45 = tpu.memref_slice %arg21[%dma_wait3A_43, %dma_wait3A_44] : memref<20480x64xf32, #tpu.memory_space<vmem_shared>> -> memref<20480x64xf32, #tpu.memory_space<vmem_shared>>
      tpu.wait_indirect_dma semaphore(%arg19 : memref<!tpu.dma_semaphore, #tpu.memory_space<semaphore_mem>>) src(%arg11 : memref<128x64xf32, #tpu.memory_space<vmem>>) dst(%dma_wait3A_45 : memref<20480x64xf32, #tpu.memory_space<vmem_shared>>)
      %dma_wait3A_46 = arith.constant 31 : i32
      %dma_wait3A_47 = arith.constant 0 : i32
      %dma_wait3A_48 = tpu.memref_slice %arg8[%dma_wait3A_46, %dma_wait3A_47] : memref<32x128xi32, #tpu.memory_space<vmem>> -> memref<1x128xi32, #tpu.memory_space<vmem>>
      %dma_wait3A_49 = tpu.memref_squeeze %dma_wait3A_48 : memref<1x128xi32, #tpu.memory_space<vmem>> -> memref<128xi32, #tpu.memory_space<vmem>>
      %dma_wait3A_50 = arith.constant 0 : i32
      %dma_wait3A_51 = arith.constant 0 : i32
      %dma_wait3A_52 = tpu.memref_slice %arg21[%dma_wait3A_50, %dma_wait3A_51] : memref<20480x64xf32, #tpu.memory_space<vmem_shared>> -> memref<20480x64xf32, #tpu.memory_space<vmem_shared>>
      tpu.wait_indirect_dma semaphore(%arg20 : memref<!tpu.dma_semaphore, #tpu.memory_space<semaphore_mem>>) src(%arg12 : memref<128x64xf32, #tpu.memory_space<vmem>>) dst(%dma_wait3A_52 : memref<20480x64xf32, #tpu.memory_space<vmem_shared>>)
    }
    %scan3A_9 = arith.constant 4 : i32
    %barrier3A_10 = arith.constant 0 : index
    tpu.barrier barrier_id(%barrier3A_10)
    %mul3A_11 = arith.constant 1280 : i32
    %mul3A_12 = arith.muli %arg1, %mul3A_11 : i32
    "tpu.region"() ({
      %run_scoped3A = tpu.sem_alloc : memref<!tpu.dma_semaphore, #tpu.memory_space<semaphore_mem>>
      %dma_start3A = arith.constant 0 : i32
      %dma_start3A_13 = tpu.memref_slice %arg6[%arg0, %mul3A_12, %dma_start3A] : memref<2x20480x64xf32, #tpu.memory_space<hbm>> -> memref<1x1280x64xf32, #tpu.memory_space<hbm>>
      %dma_start3A_14 = tpu.memref_squeeze %dma_start3A_13 : memref<1x1280x64xf32, #tpu.memory_space<hbm>> -> memref<1280x64xf32, #tpu.memory_space<hbm>>
      %dma_start3A_15 = arith.constant 0 : i32
      %dma_start3A_16 = tpu.memref_slice %arg21[%mul3A_12, %dma_start3A_15] : memref<20480x64xf32, #tpu.memory_space<vmem_shared>> -> memref<1280x64xf32, #tpu.memory_space<vmem_shared>>
      tpu.enqueue_dma source(%dma_start3A_16 : memref<1280x64xf32, #tpu.memory_space<vmem_shared>>) target(%dma_start3A_14 : memref<1280x64xf32, #tpu.memory_space<hbm>>) target_semaphore(%run_scoped3A : memref<!tpu.dma_semaphore, #tpu.memory_space<semaphore_mem>>)
      %dma_wait3A = arith.constant 0 : i32
      %dma_wait3A_17 = tpu.memref_slice %arg6[%arg0, %mul3A_12, %dma_wait3A] : memref<2x20480x64xf32, #tpu.memory_space<hbm>> -> memref<1x1280x64xf32, #tpu.memory_space<hbm>>
      %dma_wait3A_18 = tpu.memref_squeeze %dma_wait3A_17 : memref<1x1280x64xf32, #tpu.memory_space<hbm>> -> memref<1280x64xf32, #tpu.memory_space<hbm>>
      %dma_wait3A_19 = arith.constant 0 : i32
      %dma_wait3A_20 = tpu.memref_slice %arg21[%mul3A_12, %dma_wait3A_19] : memref<20480x64xf32, #tpu.memory_space<vmem_shared>> -> memref<1280x64xf32, #tpu.memory_space<vmem_shared>>
      tpu.wait_dma2 semaphore(%run_scoped3A : memref<!tpu.dma_semaphore, #tpu.memory_space<semaphore_mem>>) src(%dma_wait3A_20 : memref<1280x64xf32, #tpu.memory_space<vmem_shared>>) dst(%dma_wait3A_18 : memref<1280x64xf32, #tpu.memory_space<hbm>>)
      tpu.yield
    }) : () -> ()
    return
  }
}

module attributes {stable_mosaic.version = 14 : i64} {
  func.func @_proj_norm_body(%arg0: i32, %arg1: memref<512x1024xf32, #tpu.memory_space<vmem>>, %arg2: memref<1024x64xf32, #tpu.memory_space<vmem>>, %arg3: memref<1x64xf32, #tpu.memory_space<vmem>>, %arg4: memref<512x384xf32, #tpu.memory_space<vmem>>, %arg5: memref<384x64xf32, #tpu.memory_space<vmem>>, %arg6: memref<1x64xf32, #tpu.memory_space<vmem>>, %arg7: memref<512x64xf32, #tpu.memory_space<vmem>>, %arg8: memref<512x64xf32, #tpu.memory_space<vmem>>) attributes {dimension_semantics = [#tpu.dimension_semantics<arbitrary>], iteration_bounds = array<i64: 8>, scalar_prefetch = 0 : i64, scratch_operands = 0 : i64, tpu.core_type = #tpu.core_type<tc>, window_params = [{transform_indices = @transform_0, window_bounds = array<i64: 512, 1024>}, {pipeline_mode = #tpu.pipeline_mode<synchronous>, transform_indices = @transform_1, window_bounds = array<i64: 1024, 64>}, {pipeline_mode = #tpu.pipeline_mode<synchronous>, transform_indices = @transform_2, window_bounds = array<i64: 1, 64>}, {transform_indices = @transform_3, window_bounds = array<i64: 512, 384>}, {pipeline_mode = #tpu.pipeline_mode<synchronous>, transform_indices = @transform_4, window_bounds = array<i64: 384, 64>}, {pipeline_mode = #tpu.pipeline_mode<synchronous>, transform_indices = @transform_5, window_bounds = array<i64: 1, 64>}, {transform_indices = @transform_6, window_bounds = array<i64: 512, 64>}, {transform_indices = @transform_7, window_bounds = array<i64: 512, 64>}]} {
    %get3A = arith.constant 0 : index
    %get3A_0 = arith.constant 0 : index
    %get3A_1 = vector.load %arg1[%get3A, %get3A_0] : memref<512x1024xf32, #tpu.memory_space<vmem>>, vector<512x1024xf32>
    %get3A_2 = arith.constant 0 : index
    %get3A_3 = arith.constant 0 : index
    %get3A_4 = vector.load %arg2[%get3A_2, %get3A_3] : memref<1024x64xf32, #tpu.memory_space<vmem>>, vector<1024x64xf32>
    %dot_general3A = arith.constant dense<0.000000e+00> : vector<512x64xf32>
    %dot_general3A_5 = tpu.matmul %get3A_1, %get3A_4, %dot_general3A {dimension_numbers = #tpu.dot_dimension_numbers<[1], [0], [0], [1], [0, 0, 1, 1], [], []>, transpose_lhs_hint = false} : vector<512x1024xf32>, vector<1024x64xf32>, vector<512x64xf32> -> vector<512x64xf32>
    %get3A_6 = arith.constant 0 : index
    %get3A_7 = arith.constant 0 : index
    %get3A_8 = vector.load %arg3[%get3A_6, %get3A_7] : memref<1x64xf32, #tpu.memory_space<vmem>>, vector<1x64xf32>
    %add3A = vector.broadcast %get3A_8 : vector<1x64xf32> to vector<512x64xf32>
    %add3A_9 = arith.addf %dot_general3A_5, %add3A : vector<512x64xf32>
    %get3A_10 = arith.constant 0 : index
    %get3A_11 = arith.constant 0 : index
    %get3A_12 = vector.load %arg4[%get3A_10, %get3A_11] : memref<512x384xf32, #tpu.memory_space<vmem>>, vector<512x384xf32>
    %get3A_13 = arith.constant 0 : index
    %get3A_14 = arith.constant 0 : index
    %get3A_15 = vector.load %arg5[%get3A_13, %get3A_14] : memref<384x64xf32, #tpu.memory_space<vmem>>, vector<384x64xf32>
    %dot_general3A_16 = arith.constant dense<0.000000e+00> : vector<512x64xf32>
    %dot_general3A_17 = tpu.matmul %get3A_12, %get3A_15, %dot_general3A_16 {dimension_numbers = #tpu.dot_dimension_numbers<[1], [0], [0], [1], [0, 0, 1, 1], [], []>, transpose_lhs_hint = false} : vector<512x384xf32>, vector<384x64xf32>, vector<512x64xf32> -> vector<512x64xf32>
    %get3A_18 = arith.constant 0 : index
    %get3A_19 = arith.constant 0 : index
    %get3A_20 = vector.load %arg6[%get3A_18, %get3A_19] : memref<1x64xf32, #tpu.memory_space<vmem>>, vector<1x64xf32>
    %add3A_21 = vector.broadcast %get3A_20 : vector<1x64xf32> to vector<512x64xf32>
    %add3A_22 = arith.addf %dot_general3A_17, %add3A_21 : vector<512x64xf32>
    %mul3A = arith.mulf %add3A_9, %add3A_9 : vector<512x64xf32>
    %reduce_sum3A = arith.constant dense<0.000000e+00> : vector<512xf32>
    %reduce_sum3A_23 = vector.multi_reduction <add>, %mul3A, %reduce_sum3A [1] : vector<512x64xf32> to vector<512xf32>
    %broadcast_in_dim3A = vector.shape_cast %reduce_sum3A_23 : vector<512xf32> to vector<512x1xf32>
    %sqrt3A = math.sqrt %broadcast_in_dim3A : vector<512x1xf32>
    %div3A = vector.broadcast %sqrt3A : vector<512x1xf32> to vector<512x64xf32>
    %div3A_24 = arith.divf %add3A_9, %div3A : vector<512x64xf32>
    %swap3A = arith.constant 0 : index
    %swap3A_25 = arith.constant 0 : index
    %swap3A_26 = vector.load %arg7[%swap3A, %swap3A_25] : memref<512x64xf32, #tpu.memory_space<vmem>>, vector<512x64xf32>
    tpu.vector_store %arg7[%swap3A, %swap3A_25], %div3A_24 {strides = array<i32>} : memref<512x64xf32, #tpu.memory_space<vmem>>, vector<512x64xf32>,
    %mul3A_27 = arith.mulf %add3A_22, %add3A_22 : vector<512x64xf32>
    %reduce_sum3A_28 = arith.constant dense<0.000000e+00> : vector<512xf32>
    %reduce_sum3A_29 = vector.multi_reduction <add>, %mul3A_27, %reduce_sum3A_28 [1] : vector<512x64xf32> to vector<512xf32>
    %broadcast_in_dim3A_30 = vector.shape_cast %reduce_sum3A_29 : vector<512xf32> to vector<512x1xf32>
    %sqrt3A_31 = math.sqrt %broadcast_in_dim3A_30 : vector<512x1xf32>
    %div3A_32 = vector.broadcast %sqrt3A_31 : vector<512x1xf32> to vector<512x64xf32>
    %div3A_33 = arith.divf %add3A_22, %div3A_32 : vector<512x64xf32>
    %swap3A_34 = arith.constant 0 : index
    %swap3A_35 = arith.constant 0 : index
    %swap3A_36 = vector.load %arg8[%swap3A_34, %swap3A_35] : memref<512x64xf32, #tpu.memory_space<vmem>>, vector<512x64xf32>
    tpu.vector_store %arg8[%swap3A_34, %swap3A_35], %div3A_33 {strides = array<i32>} : memref<512x64xf32, #tpu.memory_space<vmem>>, vector<512x64xf32>,
    return
  }
  func.func @transform_0(%arg0: i32) -> (i32, i32) {
    %c0_i32 = arith.constant 0 : i32
    %c0_i32_0 = arith.constant 0 : i32
    return %arg0, %c0_i32 : i32, i32
  }
  func.func @transform_1(%arg0: i32) -> (i32, i32) {
    %c0_i32 = arith.constant 0 : i32
    %c0_i32_0 = arith.constant 0 : i32
    %c0_i32_1 = arith.constant 0 : i32
    return %c0_i32, %c0_i32_0 : i32, i32
  }
  func.func @transform_2(%arg0: i32) -> (i32, i32) {
    %c0_i32 = arith.constant 0 : i32
    %c0_i32_0 = arith.constant 0 : i32
    %c0_i32_1 = arith.constant 0 : i32
    return %c0_i32, %c0_i32_0 : i32, i32
  }
  func.func @transform_3(%arg0: i32) -> (i32, i32) {
    %c0_i32 = arith.constant 0 : i32
    %c0_i32_0 = arith.constant 0 : i32
    return %arg0, %c0_i32 : i32, i32
  }
  func.func @transform_4(%arg0: i32) -> (i32, i32) {
    %c0_i32 = arith.constant 0 : i32
    %c0_i32_0 = arith.constant 0 : i32
    %c0_i32_1 = arith.constant 0 : i32
    return %c0_i32, %c0_i32_0 : i32, i32
  }
  func.func @transform_5(%arg0: i32) -> (i32, i32) {
    %c0_i32 = arith.constant 0 : i32
    %c0_i32_0 = arith.constant 0 : i32
    %c0_i32_1 = arith.constant 0 : i32
    return %c0_i32, %c0_i32_0 : i32, i32
  }
  func.func @transform_6(%arg0: i32) -> (i32, i32) {
    %c0_i32 = arith.constant 0 : i32
    %c0_i32_0 = arith.constant 0 : i32
    return %arg0, %c0_i32 : i32, i32
  }
  func.func @transform_7(%arg0: i32) -> (i32, i32) {
    %c0_i32 = arith.constant 0 : i32
    %c0_i32_0 = arith.constant 0 : i32
    return %arg0, %c0_i32 : i32, i32
  }
}

module attributes {stable_mosaic.version = 14 : i64} {
  func.func @_knn_w_body(%arg0: i32, %arg1: memref<1x2xf32, #tpu.memory_space<smem>>, %arg2: memref<256x64xf32, #tpu.memory_space<vmem>>, %arg3: memref<4096x64xf32, #tpu.memory_space<vmem>>, %arg4: memref<256x64xf32, #tpu.memory_space<vmem>>, %arg5: memref<4096x64xf32, #tpu.memory_space<vmem>>, %arg6: memref<256x4096xbf16, #tpu.memory_space<vmem>>, %arg7: memref<1x1x256xf32, #tpu.memory_space<vmem>>) attributes {dimension_semantics = [#tpu.dimension_semantics<arbitrary>], iteration_bounds = array<i64: 16>, scalar_prefetch = 0 : i64, scratch_operands = 0 : i64, tpu.core_type = #tpu.core_type<tc>, window_params = [{transform_indices = @transform_0, window_bounds = array<i64: 1, 2>}, {transform_indices = @transform_1, window_bounds = array<i64: 256, 64>}, {pipeline_mode = #tpu.pipeline_mode<synchronous>, transform_indices = @transform_2, window_bounds = array<i64: 4096, 64>}, {transform_indices = @transform_3, window_bounds = array<i64: 256, 64>}, {pipeline_mode = #tpu.pipeline_mode<synchronous>, transform_indices = @transform_4, window_bounds = array<i64: 4096, 64>}, {transform_indices = @transform_5, window_bounds = array<i64: 256, 4096>}, {transform_indices = @transform_6, window_bounds = array<i64: 1, 1, 256>}]} {
    %get3A = arith.constant 0 : index
    %get3A_0 = arith.constant 0 : index
    %get3A_1 = vector.load %arg2[%get3A, %get3A_0] : memref<256x64xf32, #tpu.memory_space<vmem>>, vector<256x64xf32>
    %get3A_2 = arith.constant 0 : index
    %get3A_3 = arith.constant 0 : index
    %get3A_4 = vector.load %arg3[%get3A_2, %get3A_3] : memref<4096x64xf32, #tpu.memory_space<vmem>>, vector<4096x64xf32>
    %dot_general3A = arith.constant dense<0.000000e+00> : vector<256x4096xf32>
    %dot_general3A_5 = tpu.matmul %get3A_1, %get3A_4, %dot_general3A {dimension_numbers = #tpu.dot_dimension_numbers<[1], [1], [0], [0], [0, 0, 1, 0], [], []>, transpose_lhs_hint = false} : vector<256x64xf32>, vector<4096x64xf32>, vector<256x4096xf32> -> vector<256x4096xf32>
    %get3A_6 = arith.constant 0 : index
    %get3A_7 = arith.constant 0 : index
    %get3A_8 = vector.load %arg4[%get3A_6, %get3A_7] : memref<256x64xf32, #tpu.memory_space<vmem>>, vector<256x64xf32>
    %get3A_9 = arith.constant 0 : index
    %get3A_10 = arith.constant 0 : index
    %get3A_11 = vector.load %arg5[%get3A_9, %get3A_10] : memref<4096x64xf32, #tpu.memory_space<vmem>>, vector<4096x64xf32>
    %dot_general3A_12 = arith.constant dense<0.000000e+00> : vector<256x4096xf32>
    %dot_general3A_13 = tpu.matmul %get3A_8, %get3A_11, %dot_general3A_12 {dimension_numbers = #tpu.dot_dimension_numbers<[1], [1], [0], [0], [0, 0, 1, 0], [], []>, transpose_lhs_hint = false} : vector<256x64xf32>, vector<4096x64xf32>, vector<256x4096xf32> -> vector<256x4096xf32>
    %reduce_max3A = arith.constant dense<0xFF800000> : vector<256xf32>
    %reduce_max3A_14 = vector.multi_reduction <maximumf>, %dot_general3A_5, %reduce_max3A [1] : vector<256x4096xf32> to vector<256xf32>
    %broadcast_in_dim3A = vector.shape_cast %reduce_max3A_14 : vector<256xf32> to vector<256x1xf32>
    %ge3A = vector.broadcast %broadcast_in_dim3A : vector<256x1xf32> to vector<256x4096xf32>
    %ge3A_15 = arith.cmpf oge, %dot_general3A_5, %ge3A : vector<256x4096xf32>
    %jit3A = arith.constant 0xFF800000 : f32
    %broadcast_in_dim3A_16 = vector.broadcast %jit3A : f32 to vector<256x4096xf32>
    %select_n3A = arith.select %ge3A_15, %broadcast_in_dim3A_16, %dot_general3A_5 : vector<256x4096xi1>, vector<256x4096xf32>
    %reduce_max3A_17 = arith.constant dense<0xFF800000> : vector<256xf32>
    %reduce_max3A_18 = vector.multi_reduction <maximumf>, %select_n3A, %reduce_max3A_17 [1] : vector<256x4096xf32> to vector<256xf32>
    %broadcast_in_dim3A_19 = vector.shape_cast %reduce_max3A_18 : vector<256xf32> to vector<256x1xf32>
    %ge3A_20 = vector.broadcast %broadcast_in_dim3A_19 : vector<256x1xf32> to vector<256x4096xf32>
    %ge3A_21 = arith.cmpf oge, %select_n3A, %ge3A_20 : vector<256x4096xf32>
    %jit3A_22 = arith.constant 0xFF800000 : f32
    %broadcast_in_dim3A_23 = vector.broadcast %jit3A_22 : f32 to vector<256x4096xf32>
    %select_n3A_24 = arith.select %ge3A_21, %broadcast_in_dim3A_23, %select_n3A : vector<256x4096xi1>, vector<256x4096xf32>
    %reduce_max3A_25 = arith.constant dense<0xFF800000> : vector<256xf32>
    %reduce_max3A_26 = vector.multi_reduction <maximumf>, %select_n3A_24, %reduce_max3A_25 [1] : vector<256x4096xf32> to vector<256xf32>
    %broadcast_in_dim3A_27 = vector.shape_cast %reduce_max3A_26 : vector<256xf32> to vector<256x1xf32>
    %ge3A_28 = vector.broadcast %broadcast_in_dim3A_27 : vector<256x1xf32> to vector<256x4096xf32>
    %ge3A_29 = arith.cmpf oge, %select_n3A_24, %ge3A_28 : vector<256x4096xf32>
    %jit3A_30 = arith.constant 0xFF800000 : f32
    %broadcast_in_dim3A_31 = vector.broadcast %jit3A_30 : f32 to vector<256x4096xf32>
    %select_n3A_32 = arith.select %ge3A_29, %broadcast_in_dim3A_31, %select_n3A_24 : vector<256x4096xi1>, vector<256x4096xf32>
    %reduce_max3A_33 = arith.constant dense<0xFF800000> : vector<256xf32>
    %reduce_max3A_34 = vector.multi_reduction <maximumf>, %select_n3A_32, %reduce_max3A_33 [1] : vector<256x4096xf32> to vector<256xf32>
    %broadcast_in_dim3A_35 = vector.shape_cast %reduce_max3A_34 : vector<256xf32> to vector<256x1xf32>
    %ge3A_36 = vector.broadcast %broadcast_in_dim3A_35 : vector<256x1xf32> to vector<256x4096xf32>
    %ge3A_37 = arith.cmpf oge, %select_n3A_32, %ge3A_36 : vector<256x4096xf32>
    %jit3A_38 = arith.constant 0xFF800000 : f32
    %broadcast_in_dim3A_39 = vector.broadcast %jit3A_38 : f32 to vector<256x4096xf32>
    %select_n3A_40 = arith.select %ge3A_37, %broadcast_in_dim3A_39, %select_n3A_32 : vector<256x4096xi1>, vector<256x4096xf32>
    %reduce_max3A_41 = arith.constant dense<0xFF800000> : vector<256xf32>
    %reduce_max3A_42 = vector.multi_reduction <maximumf>, %select_n3A_40, %reduce_max3A_41 [1] : vector<256x4096xf32> to vector<256xf32>
    %broadcast_in_dim3A_43 = vector.shape_cast %reduce_max3A_42 : vector<256xf32> to vector<256x1xf32>
    %ge3A_44 = vector.broadcast %broadcast_in_dim3A_43 : vector<256x1xf32> to vector<256x4096xf32>
    %ge3A_45 = arith.cmpf oge, %select_n3A_40, %ge3A_44 : vector<256x4096xf32>
    %jit3A_46 = arith.constant 0xFF800000 : f32
    %broadcast_in_dim3A_47 = vector.broadcast %jit3A_46 : f32 to vector<256x4096xf32>
    %select_n3A_48 = arith.select %ge3A_45, %broadcast_in_dim3A_47, %select_n3A_40 : vector<256x4096xi1>, vector<256x4096xf32>
    %reduce_max3A_49 = arith.constant dense<0xFF800000> : vector<256xf32>
    %reduce_max3A_50 = vector.multi_reduction <maximumf>, %select_n3A_48, %reduce_max3A_49 [1] : vector<256x4096xf32> to vector<256xf32>
    %broadcast_in_dim3A_51 = vector.shape_cast %reduce_max3A_50 : vector<256xf32> to vector<256x1xf32>
    %ge3A_52 = vector.broadcast %broadcast_in_dim3A_51 : vector<256x1xf32> to vector<256x4096xf32>
    %ge3A_53 = arith.cmpf oge, %select_n3A_48, %ge3A_52 : vector<256x4096xf32>
    %jit3A_54 = arith.constant 0xFF800000 : f32
    %broadcast_in_dim3A_55 = vector.broadcast %jit3A_54 : f32 to vector<256x4096xf32>
    %select_n3A_56 = arith.select %ge3A_53, %broadcast_in_dim3A_55, %select_n3A_48 : vector<256x4096xi1>, vector<256x4096xf32>
    %reduce_max3A_57 = arith.constant dense<0xFF800000> : vector<256xf32>
    %reduce_max3A_58 = vector.multi_reduction <maximumf>, %select_n3A_56, %reduce_max3A_57 [1] : vector<256x4096xf32> to vector<256xf32>
    %broadcast_in_dim3A_59 = vector.shape_cast %reduce_max3A_58 : vector<256xf32> to vector<256x1xf32>
    %ge3A_60 = vector.broadcast %broadcast_in_dim3A_59 : vector<256x1xf32> to vector<256x4096xf32>
    %ge3A_61 = arith.cmpf oge, %select_n3A_56, %ge3A_60 : vector<256x4096xf32>
    %jit3A_62 = arith.constant 0xFF800000 : f32
    %broadcast_in_dim3A_63 = vector.broadcast %jit3A_62 : f32 to vector<256x4096xf32>
    %select_n3A_64 = arith.select %ge3A_61, %broadcast_in_dim3A_63, %select_n3A_56 : vector<256x4096xi1>, vector<256x4096xf32>
    %reduce_max3A_65 = arith.constant dense<0xFF800000> : vector<256xf32>
    %reduce_max3A_66 = vector.multi_reduction <maximumf>, %select_n3A_64, %reduce_max3A_65 [1] : vector<256x4096xf32> to vector<256xf32>
    %broadcast_in_dim3A_67 = vector.shape_cast %reduce_max3A_66 : vector<256xf32> to vector<256x1xf32>
    %ge3A_68 = vector.broadcast %broadcast_in_dim3A_67 : vector<256x1xf32> to vector<256x4096xf32>
    %ge3A_69 = arith.cmpf oge, %select_n3A_64, %ge3A_68 : vector<256x4096xf32>
    %jit3A_70 = arith.constant 0xFF800000 : f32
    %broadcast_in_dim3A_71 = vector.broadcast %jit3A_70 : f32 to vector<256x4096xf32>
    %select_n3A_72 = arith.select %ge3A_69, %broadcast_in_dim3A_71, %select_n3A_64 : vector<256x4096xi1>, vector<256x4096xf32>
    %reduce_max3A_73 = arith.constant dense<0xFF800000> : vector<256xf32>
    %reduce_max3A_74 = vector.multi_reduction <maximumf>, %select_n3A_72, %reduce_max3A_73 [1] : vector<256x4096xf32> to vector<256xf32>
    %broadcast_in_dim3A_75 = vector.shape_cast %reduce_max3A_74 : vector<256xf32> to vector<256x1xf32>
    %ge3A_76 = vector.broadcast %broadcast_in_dim3A_75 : vector<256x1xf32> to vector<256x4096xf32>
    %ge3A_77 = arith.cmpf oge, %select_n3A_72, %ge3A_76 : vector<256x4096xf32>
    %jit3A_78 = arith.constant 0xFF800000 : f32
    %broadcast_in_dim3A_79 = vector.broadcast %jit3A_78 : f32 to vector<256x4096xf32>
    %select_n3A_80 = arith.select %ge3A_77, %broadcast_in_dim3A_79, %select_n3A_72 : vector<256x4096xi1>, vector<256x4096xf32>
    %reduce_max3A_81 = arith.constant dense<0xFF800000> : vector<256xf32>
    %reduce_max3A_82 = vector.multi_reduction <maximumf>, %select_n3A_80, %reduce_max3A_81 [1] : vector<256x4096xf32> to vector<256xf32>
    %broadcast_in_dim3A_83 = vector.shape_cast %reduce_max3A_82 : vector<256xf32> to vector<256x1xf32>
    %reduce_max3A_84 = arith.constant dense<0xFF800000> : vector<256xf32>
    %reduce_max3A_85 = vector.multi_reduction <maximumf>, %dot_general3A_13, %reduce_max3A_84 [1] : vector<256x4096xf32> to vector<256xf32>
    %broadcast_in_dim3A_86 = vector.shape_cast %reduce_max3A_85 : vector<256xf32> to vector<256x1xf32>
    %ge3A_87 = vector.broadcast %broadcast_in_dim3A_86 : vector<256x1xf32> to vector<256x4096xf32>
    %ge3A_88 = arith.cmpf oge, %dot_general3A_13, %ge3A_87 : vector<256x4096xf32>
    %jit3A_89 = arith.constant 0xFF800000 : f32
    %broadcast_in_dim3A_90 = vector.broadcast %jit3A_89 : f32 to vector<256x4096xf32>
    %select_n3A_91 = arith.select %ge3A_88, %broadcast_in_dim3A_90, %dot_general3A_13 : vector<256x4096xi1>, vector<256x4096xf32>
    %reduce_max3A_92 = arith.constant dense<0xFF800000> : vector<256xf32>
    %reduce_max3A_93 = vector.multi_reduction <maximumf>, %select_n3A_91, %reduce_max3A_92 [1] : vector<256x4096xf32> to vector<256xf32>
    %broadcast_in_dim3A_94 = vector.shape_cast %reduce_max3A_93 : vector<256xf32> to vector<256x1xf32>
    %ge3A_95 = vector.broadcast %broadcast_in_dim3A_94 : vector<256x1xf32> to vector<256x4096xf32>
    %ge3A_96 = arith.cmpf oge, %select_n3A_91, %ge3A_95 : vector<256x4096xf32>
    %jit3A_97 = arith.constant 0xFF800000 : f32
    %broadcast_in_dim3A_98 = vector.broadcast %jit3A_97 : f32 to vector<256x4096xf32>
    %select_n3A_99 = arith.select %ge3A_96, %broadcast_in_dim3A_98, %select_n3A_91 : vector<256x4096xi1>, vector<256x4096xf32>
    %reduce_max3A_100 = arith.constant dense<0xFF800000> : vector<256xf32>
    %reduce_max3A_101 = vector.multi_reduction <maximumf>, %select_n3A_99, %reduce_max3A_100 [1] : vector<256x4096xf32> to vector<256xf32>
    %broadcast_in_dim3A_102 = vector.shape_cast %reduce_max3A_101 : vector<256xf32> to vector<256x1xf32>
    %ge3A_103 = vector.broadcast %broadcast_in_dim3A_102 : vector<256x1xf32> to vector<256x4096xf32>
    %ge3A_104 = arith.cmpf oge, %select_n3A_99, %ge3A_103 : vector<256x4096xf32>
    %jit3A_105 = arith.constant 0xFF800000 : f32
    %broadcast_in_dim3A_106 = vector.broadcast %jit3A_105 : f32 to vector<256x4096xf32>
    %select_n3A_107 = arith.select %ge3A_104, %broadcast_in_dim3A_106, %select_n3A_99 : vector<256x4096xi1>, vector<256x4096xf32>
    %reduce_max3A_108 = arith.constant dense<0xFF800000> : vector<256xf32>
    %reduce_max3A_109 = vector.multi_reduction <maximumf>, %select_n3A_107, %reduce_max3A_108 [1] : vector<256x4096xf32> to vector<256xf32>
    %broadcast_in_dim3A_110 = vector.shape_cast %reduce_max3A_109 : vector<256xf32> to vector<256x1xf32>
    %ge3A_111 = vector.broadcast %broadcast_in_dim3A_110 : vector<256x1xf32> to vector<256x4096xf32>
    %ge3A_112 = arith.cmpf oge, %select_n3A_107, %ge3A_111 : vector<256x4096xf32>
    %jit3A_113 = arith.constant 0xFF800000 : f32
    %broadcast_in_dim3A_114 = vector.broadcast %jit3A_113 : f32 to vector<256x4096xf32>
    %select_n3A_115 = arith.select %ge3A_112, %broadcast_in_dim3A_114, %select_n3A_107 : vector<256x4096xi1>, vector<256x4096xf32>
    %reduce_max3A_116 = arith.constant dense<0xFF800000> : vector<256xf32>
    %reduce_max3A_117 = vector.multi_reduction <maximumf>, %select_n3A_115, %reduce_max3A_116 [1] : vector<256x4096xf32> to vector<256xf32>
    %broadcast_in_dim3A_118 = vector.shape_cast %reduce_max3A_117 : vector<256xf32> to vector<256x1xf32>
    %ge3A_119 = vector.broadcast %broadcast_in_dim3A_118 : vector<256x1xf32> to vector<256x4096xf32>
    %ge3A_120 = arith.cmpf oge, %select_n3A_115, %ge3A_119 : vector<256x4096xf32>
    %jit3A_121 = arith.constant 0xFF800000 : f32
    %broadcast_in_dim3A_122 = vector.broadcast %jit3A_121 : f32 to vector<256x4096xf32>
    %select_n3A_123 = arith.select %ge3A_120, %broadcast_in_dim3A_122, %select_n3A_115 : vector<256x4096xi1>, vector<256x4096xf32>
    %reduce_max3A_124 = arith.constant dense<0xFF800000> : vector<256xf32>
    %reduce_max3A_125 = vector.multi_reduction <maximumf>, %select_n3A_123, %reduce_max3A_124 [1] : vector<256x4096xf32> to vector<256xf32>
    %broadcast_in_dim3A_126 = vector.shape_cast %reduce_max3A_125 : vector<256xf32> to vector<256x1xf32>
    %ge3A_127 = vector.broadcast %broadcast_in_dim3A_126 : vector<256x1xf32> to vector<256x4096xf32>
    %ge3A_128 = arith.cmpf oge, %select_n3A_123, %ge3A_127 : vector<256x4096xf32>
    %jit3A_129 = arith.constant 0xFF800000 : f32
    %broadcast_in_dim3A_130 = vector.broadcast %jit3A_129 : f32 to vector<256x4096xf32>
    %select_n3A_131 = arith.select %ge3A_128, %broadcast_in_dim3A_130, %select_n3A_123 : vector<256x4096xi1>, vector<256x4096xf32>
    %reduce_max3A_132 = arith.constant dense<0xFF800000> : vector<256xf32>
    %reduce_max3A_133 = vector.multi_reduction <maximumf>, %select_n3A_131, %reduce_max3A_132 [1] : vector<256x4096xf32> to vector<256xf32>
    %broadcast_in_dim3A_134 = vector.shape_cast %reduce_max3A_133 : vector<256xf32> to vector<256x1xf32>
    %ge3A_135 = vector.broadcast %broadcast_in_dim3A_134 : vector<256x1xf32> to vector<256x4096xf32>
    %ge3A_136 = arith.cmpf oge, %select_n3A_131, %ge3A_135 : vector<256x4096xf32>
    %jit3A_137 = arith.constant 0xFF800000 : f32
    %broadcast_in_dim3A_138 = vector.broadcast %jit3A_137 : f32 to vector<256x4096xf32>
    %select_n3A_139 = arith.select %ge3A_136, %broadcast_in_dim3A_138, %select_n3A_131 : vector<256x4096xi1>, vector<256x4096xf32>
    %reduce_max3A_140 = arith.constant dense<0xFF800000> : vector<256xf32>
    %reduce_max3A_141 = vector.multi_reduction <maximumf>, %select_n3A_139, %reduce_max3A_140 [1] : vector<256x4096xf32> to vector<256xf32>
    %broadcast_in_dim3A_142 = vector.shape_cast %reduce_max3A_141 : vector<256xf32> to vector<256x1xf32>
    %ge3A_143 = vector.broadcast %broadcast_in_dim3A_142 : vector<256x1xf32> to vector<256x4096xf32>
    %ge3A_144 = arith.cmpf oge, %select_n3A_139, %ge3A_143 : vector<256x4096xf32>
    %jit3A_145 = arith.constant 0xFF800000 : f32
    %broadcast_in_dim3A_146 = vector.broadcast %jit3A_145 : f32 to vector<256x4096xf32>
    %select_n3A_147 = arith.select %ge3A_144, %broadcast_in_dim3A_146, %select_n3A_139 : vector<256x4096xi1>, vector<256x4096xf32>
    %reduce_max3A_148 = arith.constant dense<0xFF800000> : vector<256xf32>
    %reduce_max3A_149 = vector.multi_reduction <maximumf>, %select_n3A_147, %reduce_max3A_148 [1] : vector<256x4096xf32> to vector<256xf32>
    %broadcast_in_dim3A_150 = vector.shape_cast %reduce_max3A_149 : vector<256xf32> to vector<256x1xf32>
    %ge3A_151 = vector.broadcast %broadcast_in_dim3A_150 : vector<256x1xf32> to vector<256x4096xf32>
    %ge3A_152 = arith.cmpf oge, %select_n3A_147, %ge3A_151 : vector<256x4096xf32>
    %jit3A_153 = arith.constant 0xFF800000 : f32
    %broadcast_in_dim3A_154 = vector.broadcast %jit3A_153 : f32 to vector<256x4096xf32>
    %select_n3A_155 = arith.select %ge3A_152, %broadcast_in_dim3A_154, %select_n3A_147 : vector<256x4096xi1>, vector<256x4096xf32>
    %reduce_max3A_156 = arith.constant dense<0xFF800000> : vector<256xf32>
    %reduce_max3A_157 = vector.multi_reduction <maximumf>, %select_n3A_155, %reduce_max3A_156 [1] : vector<256x4096xf32> to vector<256xf32>
    %broadcast_in_dim3A_158 = vector.shape_cast %reduce_max3A_157 : vector<256xf32> to vector<256x1xf32>
    %get3A_159 = arith.constant 0 : index
    %get3A_160 = arith.constant 0 : index
    %get3A_161 = memref.load %arg1[%get3A_159, %get3A_160] : memref<1x2xf32, #tpu.memory_space<smem>>
    %get3A_162 = arith.constant 0 : index
    %get3A_163 = arith.constant 1 : index
    %get3A_164 = memref.load %arg1[%get3A_162, %get3A_163] : memref<1x2xf32, #tpu.memory_space<smem>>
    %ge3A_165 = vector.broadcast %broadcast_in_dim3A_83 : vector<256x1xf32> to vector<256x4096xf32>
    %ge3A_166 = arith.cmpf oge, %dot_general3A_5, %ge3A_165 : vector<256x4096xf32>
    %jit3A_167 = arith.constant 0.000000e+00 : f32
    %broadcast_in_dim3A_168 = vector.broadcast %jit3A_167 : f32 to vector<256x4096xf32>
    %select_n3A_169 = arith.select %ge3A_166, %dot_general3A_5, %broadcast_in_dim3A_168 : vector<256x4096xi1>, vector<256x4096xf32>
    %mul3A = vector.broadcast %get3A_161 : f32 to vector<256x4096xf32>
    %mul3A_170 = arith.mulf %mul3A, %select_n3A_169 : vector<256x4096xf32>
    %ge3A_171 = vector.broadcast %broadcast_in_dim3A_158 : vector<256x1xf32> to vector<256x4096xf32>
    %ge3A_172 = arith.cmpf oge, %dot_general3A_13, %ge3A_171 : vector<256x4096xf32>
    %jit3A_173 = arith.constant 0.000000e+00 : f32
    %broadcast_in_dim3A_174 = vector.broadcast %jit3A_173 : f32 to vector<256x4096xf32>
    %select_n3A_175 = arith.select %ge3A_172, %dot_general3A_13, %broadcast_in_dim3A_174 : vector<256x4096xi1>, vector<256x4096xf32>
    %mul3A_176 = vector.broadcast %get3A_164 : f32 to vector<256x4096xf32>
    %mul3A_177 = arith.mulf %mul3A_176, %select_n3A_175 : vector<256x4096xf32>
    %add3A = arith.addf %mul3A_170, %mul3A_177 : vector<256x4096xf32>
    %convert_element_type3A = arith.truncf %add3A : vector<256x4096xf32> to vector<256x4096xbf16>
    %swap3A = arith.constant 0 : index
    %swap3A_178 = arith.constant 0 : index
    %swap3A_179 = vector.load %arg6[%swap3A, %swap3A_178] : memref<256x4096xbf16, #tpu.memory_space<vmem>>, vector<256x4096xbf16>
    tpu.vector_store %arg6[%swap3A, %swap3A_178], %convert_element_type3A {strides = array<i32>} : memref<256x4096xbf16, #tpu.memory_space<vmem>>, vector<256x4096xbf16>,
    %reduce_sum3A = arith.constant dense<0.000000e+00> : vector<256xf32>
    %reduce_sum3A_180 = vector.multi_reduction <add>, %add3A, %reduce_sum3A [1] : vector<256x4096xf32> to vector<256xf32>
    %swap3A_181 = arith.constant 0 : index
    %swap3A_182 = arith.constant 0 : index
    %swap3A_183 = arith.constant 0 : index
    %swap3A_184 = vector.load %arg7[%swap3A_181, %swap3A_182, %swap3A_183] : memref<1x1x256xf32, #tpu.memory_space<vmem>>, vector<1x1x256xf32>
    %swap3A_185 = vector.shape_cast %swap3A_184 : vector<1x1x256xf32> to vector<256xf32>
    %swap3A_186 = vector.shape_cast %reduce_sum3A_180 : vector<256xf32> to vector<1x1x256xf32>
    tpu.vector_store %arg7[%swap3A_181, %swap3A_182, %swap3A_183], %swap3A_186 {strides = array<i32>} : memref<1x1x256xf32, #tpu.memory_space<vmem>>, vector<1x1x256xf32>,
    return
  }
  func.func @transform_0(%arg0: i32) -> (i32, i32) {
    %c0_i32 = arith.constant 0 : i32
    %c0_i32_0 = arith.constant 0 : i32
    %c0_i32_1 = arith.constant 0 : i32
    return %c0_i32, %c0_i32_0 : i32, i32
  }
  func.func @transform_1(%arg0: i32) -> (i32, i32) {
    %c0_i32 = arith.constant 0 : i32
    %c0_i32_0 = arith.constant 0 : i32
    return %arg0, %c0_i32 : i32, i32
  }
  func.func @transform_2(%arg0: i32) -> (i32, i32) {
    %c0_i32 = arith.constant 0 : i32
    %c0_i32_0 = arith.constant 0 : i32
    %c0_i32_1 = arith.constant 0 : i32
    return %c0_i32, %c0_i32_0 : i32, i32
  }
  func.func @transform_3(%arg0: i32) -> (i32, i32) {
    %c0_i32 = arith.constant 0 : i32
    %c0_i32_0 = arith.constant 0 : i32
    return %arg0, %c0_i32 : i32, i32
  }
  func.func @transform_4(%arg0: i32) -> (i32, i32) {
    %c0_i32 = arith.constant 0 : i32
    %c0_i32_0 = arith.constant 0 : i32
    %c0_i32_1 = arith.constant 0 : i32
    return %c0_i32, %c0_i32_0 : i32, i32
  }
  func.func @transform_5(%arg0: i32) -> (i32, i32) {
    %c0_i32 = arith.constant 0 : i32
    %c0_i32_0 = arith.constant 0 : i32
    return %arg0, %c0_i32 : i32, i32
  }
  func.func @transform_6(%arg0: i32) -> (i32, i32, i32) {
    %c0_i32 = arith.constant 0 : i32
    %c0_i32_0 = arith.constant 0 : i32
    %c0_i32_1 = arith.constant 0 : i32
    return %arg0, %c0_i32, %c0_i32_0 : i32, i32, i32
  }
}

module attributes {stable_mosaic.version = 14 : i64} {
  func.func @_item_h_body(%arg0: i32, %arg1: memref<1x2xf32, #tpu.memory_space<smem>>, %arg2: memref<1x1x256xf32, #tpu.memory_space<vmem>>, %arg3: memref<256x4096xbf16, #tpu.memory_space<vmem>>, %arg4: memref<256x4096xf32, #tpu.memory_space<vmem>>, %arg5: memref<256x4096xf32, #tpu.memory_space<vmem>>, %arg6: memref<4096x64xbf16, #tpu.memory_space<vmem>>, %arg7: memref<4096x64xf32, #tpu.memory_space<vmem>>, %arg8: memref<256x64xf32, #tpu.memory_space<vmem>>) attributes {dimension_semantics = [#tpu.dimension_semantics<arbitrary>], iteration_bounds = array<i64: 16>, scalar_prefetch = 0 : i64, scratch_operands = 0 : i64, tpu.core_type = #tpu.core_type<tc>, window_params = [{transform_indices = @transform_0, window_bounds = array<i64: 1, 2>}, {transform_indices = @transform_1, window_bounds = array<i64: 1, 1, 256>}, {transform_indices = @transform_2, window_bounds = array<i64: 256, 4096>}, {transform_indices = @transform_3, window_bounds = array<i64: 256, 4096>}, {transform_indices = @transform_4, window_bounds = array<i64: 256, 4096>}, {pipeline_mode = #tpu.pipeline_mode<synchronous>, transform_indices = @transform_5, window_bounds = array<i64: 4096, 64>}, {pipeline_mode = #tpu.pipeline_mode<synchronous>, transform_indices = @transform_6, window_bounds = array<i64: 4096, 64>}, {transform_indices = @transform_7, window_bounds = array<i64: 256, 64>}]} {
    %get3A = arith.constant 0 : index
    %get3A_0 = arith.constant 0 : index
    %get3A_1 = memref.load %arg1[%get3A, %get3A_0] : memref<1x2xf32, #tpu.memory_space<smem>>
    %get3A_2 = arith.constant 0 : index
    %get3A_3 = arith.constant 1 : index
    %get3A_4 = memref.load %arg1[%get3A_2, %get3A_3] : memref<1x2xf32, #tpu.memory_space<smem>>
    %get3A_5 = arith.constant 0 : index
    %get3A_6 = arith.constant 0 : index
    %get3A_7 = vector.load %arg3[%get3A_5, %get3A_6] : memref<256x4096xbf16, #tpu.memory_space<vmem>>, vector<256x4096xbf16>
    %get3A_8 = arith.constant 0 : index
    %get3A_9 = arith.constant 0 : index
    %get3A_10 = vector.load %arg6[%get3A_8, %get3A_9] : memref<4096x64xbf16, #tpu.memory_space<vmem>>, vector<4096x64xbf16>
    %dot_general3A = arith.constant dense<0.000000e+00> : vector<256x64xf32>
    %dot_general3A_11 = tpu.matmul %get3A_7, %get3A_10, %dot_general3A {dimension_numbers = #tpu.dot_dimension_numbers<[1], [0], [0], [1], [0, 0, 1, 1], [], []>, transpose_lhs_hint = false} : vector<256x4096xbf16>, vector<4096x64xbf16>, vector<256x64xf32> -> vector<256x64xf32>
    %get3A_12 = arith.constant 0 : index
    %get3A_13 = arith.constant 0 : index
    %get3A_14 = arith.constant 0 : index
    %get3A_15 = vector.load %arg2[%get3A_12, %get3A_13, %get3A_14] : memref<1x1x256xf32, #tpu.memory_space<vmem>>, vector<1x1x256xf32>
    %get3A_16 = vector.shape_cast %get3A_15 : vector<1x1x256xf32> to vector<256xf32>
    %broadcast_in_dim3A = vector.shape_cast %get3A_16 : vector<256xf32> to vector<256x1xf32>
    %mul3A = vector.broadcast %broadcast_in_dim3A : vector<256x1xf32> to vector<256x64xf32>
    %mul3A_17 = arith.mulf %dot_general3A_11, %mul3A : vector<256x64xf32>
    %get3A_18 = arith.constant 0 : index
    %get3A_19 = arith.constant 0 : index
    %get3A_20 = vector.load %arg4[%get3A_18, %get3A_19] : memref<256x4096xf32, #tpu.memory_space<vmem>>, vector<256x4096xf32>
    %mul3A_21 = vector.broadcast %get3A_1 : f32 to vector<256x4096xf32>
    %mul3A_22 = arith.mulf %mul3A_21, %get3A_20 : vector<256x4096xf32>
    %get3A_23 = arith.constant 0 : index
    %get3A_24 = arith.constant 0 : index
    %get3A_25 = vector.load %arg5[%get3A_23, %get3A_24] : memref<256x4096xf32, #tpu.memory_space<vmem>>, vector<256x4096xf32>
    %mul3A_26 = vector.broadcast %get3A_4 : f32 to vector<256x4096xf32>
    %mul3A_27 = arith.mulf %mul3A_26, %get3A_25 : vector<256x4096xf32>
    %add3A = arith.addf %mul3A_22, %mul3A_27 : vector<256x4096xf32>
    %get3A_28 = arith.constant 0 : index
    %get3A_29 = arith.constant 0 : index
    %get3A_30 = vector.load %arg7[%get3A_28, %get3A_29] : memref<4096x64xf32, #tpu.memory_space<vmem>>, vector<4096x64xf32>
    %dot_general3A_31 = arith.constant dense<0.000000e+00> : vector<256x64xf32>
    %dot_general3A_32 = tpu.matmul %add3A, %get3A_30, %dot_general3A_31 {dimension_numbers = #tpu.dot_dimension_numbers<[1], [0], [0], [1], [0, 0, 1, 1], [], []>, transpose_lhs_hint = false} : vector<256x4096xf32>, vector<4096x64xf32>, vector<256x64xf32> -> vector<256x64xf32>
    %add3A_33 = arith.addf %mul3A_17, %dot_general3A_32 : vector<256x64xf32>
    %swap3A = arith.constant 0 : index
    %swap3A_34 = arith.constant 0 : index
    %swap3A_35 = vector.load %arg8[%swap3A, %swap3A_34] : memref<256x64xf32, #tpu.memory_space<vmem>>, vector<256x64xf32>
    tpu.vector_store %arg8[%swap3A, %swap3A_34], %add3A_33 {strides = array<i32>} : memref<256x64xf32, #tpu.memory_space<vmem>>, vector<256x64xf32>,
    return
  }
  func.func @transform_0(%arg0: i32) -> (i32, i32) {
    %c0_i32 = arith.constant 0 : i32
    %c0_i32_0 = arith.constant 0 : i32
    %c0_i32_1 = arith.constant 0 : i32
    return %c0_i32, %c0_i32_0 : i32, i32
  }
  func.func @transform_1(%arg0: i32) -> (i32, i32, i32) {
    %c0_i32 = arith.constant 0 : i32
    %c0_i32_0 = arith.constant 0 : i32
    %c0_i32_1 = arith.constant 0 : i32
    return %arg0, %c0_i32, %c0_i32_0 : i32, i32, i32
  }
  func.func @transform_2(%arg0: i32) -> (i32, i32) {
    %c0_i32 = arith.constant 0 : i32
    %c0_i32_0 = arith.constant 0 : i32
    return %arg0, %c0_i32 : i32, i32
  }
  func.func @transform_3(%arg0: i32) -> (i32, i32) {
    %c0_i32 = arith.constant 0 : i32
    %c0_i32_0 = arith.constant 0 : i32
    return %arg0, %c0_i32 : i32, i32
  }
  func.func @transform_4(%arg0: i32) -> (i32, i32) {
    %c0_i32 = arith.constant 0 : i32
    %c0_i32_0 = arith.constant 0 : i32
    return %arg0, %c0_i32 : i32, i32
  }
  func.func @transform_5(%arg0: i32) -> (i32, i32) {
    %c0_i32 = arith.constant 0 : i32
    %c0_i32_0 = arith.constant 0 : i32
    %c0_i32_1 = arith.constant 0 : i32
    return %c0_i32, %c0_i32_0 : i32, i32
  }
  func.func @transform_6(%arg0: i32) -> (i32, i32) {
    %c0_i32 = arith.constant 0 : i32
    %c0_i32_0 = arith.constant 0 : i32
    %c0_i32_1 = arith.constant 0 : i32
    return %c0_i32, %c0_i32_0 : i32, i32
  }
  func.func @transform_7(%arg0: i32) -> (i32, i32) {
    %c0_i32 = arith.constant 0 : i32
    %c0_i32_0 = arith.constant 0 : i32
    return %arg0, %c0_i32 : i32, i32
  }
}

</mosaic_0001>

<sc_bundles>
// kernel: kernel.11.cloned.1.call-start
scs
__scs_entry_jumppad:
0x0: {  	(pc) =	sbr.rel $0x88, $3  }
0x1: {  	(tag) =	ssettag $0x0;
	lr =	simm.s32 $0x1  }
0x2: {  	[smem:$0x3F95] =	sst lr;
	_ =	strace $0xD0000000  }
0x3: {  	_ = 	snop  }
0x4: {  	_ = 	snop  }
0x5: {  	_ = 	snop  }
0x6: {  	_ = 	snop  }
0x7: {  	_ = 	snop  }
__scs_overlays_trampoline_lowered:
0x8: {  	[smem:$0x3FA4] =	sst s0  }
0x9: {  	[smem:$0x3FA5] =	sst s1  }
0xa: {  	[smem:$0x3FA6] =	sst s2  }
0xb: {  	[smem:$0x3FA7] =	sst s3  }
0xc: {  	[smem:$0x3FA8] =	sst s4  }
0xd: {  	[smem:$0x3FA9] =	sst s5  }
0xe: {  	[smem:$0x3FAA] =	sst s6  }
0xf: {  	[smem:$0x3FAB] =	sst s7  }
0x10: {  	[smem:$0x3FAC] =	sst s8  }
0x11: {  	[smem:$0x3FAD] =	sst s9;
	s0 =	simm.s32 @!p0 $0x0  }
0x12: {  	s1 =	sld [smem:$0x3F93];
	s0 =	simm.s32 @p0 $0x1  }
0x13: {  	[smem:$0x3FAE] =	sst s0;
	s0 =	simm.s32 @!p1 $0x0  }
0x14: {  	s2 =	sld [smem:$0x3F92];
	s0 =	simm.s32 @p1 $0x1  }
0x15: {  	[smem:$0x3FAF] =	sst s0;
	s0 =	simm.s32 @!p2 $0x0  }
0x16: {  	s3 =	sld [smem:$0x3FDB];
	s0 =	simm.s32 @p2 $0x1  }
0x17: {  	s4 =	simm.s32 $0x1BF5;
	[smem:$0x3FB1] =	sst s0  }
0x18: {  	s0 =	sld [smem:$0x3F94];
	_ =	swait.ge [sflag:s4], $0x0  }
0x19: {  	s7 =	sld [smem:$0x3F95]  }
0x1a: {  	s8 =	sadd.s32 $0xFFFFE003, lr  }
0x1b: {  	s9 =	sadd.s32 $0xFFFFFEF7, lr;
	s5 =	simm.s32 $0xFFFFFFFF;
	p2 =	slt.u32 s8, $0xFFFFF086  }
0x1c: {  	p1 =	slt.u32 s9, $0xF7A;
	s5 =	simm.s32 @!p2 $0x0  }
0x1d: {  	s5 =	simm.s32 @p1 $0x1;
	p0 =	seq.s32 s7, s2  }
0x1e: {  	s7 =	smul.u32 @!p0 $0xF7A, s2;
	p2 =	seq.s32 @!p0 s5, $0x0  }
0x1f: {  	s9 =	smul.u32 $0xF7A, s1;
	s8 =	simm.s32 @!p0 $0x1BF5;
	p2 =	por !p2, p0  }
0x20: {  	[sflag:s8] =	ssyncset.s32 @!p0 $0xFFFFF086;
	s6 =	sadd.s32 @!p0 s3, s7;
	s7 =	simm.s32 @!p0 $0x108  }
0x21: {  	s3 =	sadd.s32 s3, s9;
	s6 =	sadd.s32 @!p0 $0x88, s6;
	s7 =	simm.s32 @p2 $0x1082  }
0x22: {  	[simem:s7], [sflag:s8] =	dma.local @!p0 [hbm:s6], $0xF7A  }
0x23: {  	s9 =	sor.u32 $0xD0000000, s2;
	s6 =	simm.s32 $0x108;
	_ =	swait.ge @!p0 [sflag:s8], $0x0  }
0x24: {  	s3 =	sadd.s32 $0x88, s3;
	s6 =	simm.s32 @!p1 $0x1082;
	[sflag:s4] =	ssyncset.s32 $0xFFFFF086  }
0x25: {  	[simem:s6], [sflag:s4] =	dma.local [hbm:s3], $0xF7A  }
0x26: {  	[smem:$0x3F95] =	sst s1;
	(tag) =	ssettag s2;
	_ =	strace s9  }
0x27: {  	s1 =	sld [smem:$0x3FA5]  }
0x28: {  	s2 =	sld [smem:$0x3FA6]  }
0x29: {  	s4 =	sld [smem:$0x3FA8]  }
0x2a: {  	p0 =	seq.s32 s5, $0x0;
	s5 =	sld [smem:$0x3FA9]  }
0x2b: {  	s6 =	sld [smem:$0x3FAA]  }
0x2c: {  	s7 =	sld [smem:$0x3FAB]  }
0x2d: {  	s3 =	simm.s32 $0x108;
	s8 =	sld [smem:$0x3FAC]  }
0x2e: {  	s3 =	simm.s32 @!p0 $0x1082;
	s9 =	sld [smem:$0x3FAD]  }
0x2f: {  	lr =	sadd.s32 s0, s3;
	s0 =	sld [smem:$0x3FA4]  }
0x30: {  	s3 =	sld [smem:$0x3FA7]  }
0x31: {  	[smem:$0x3FB0] =	sst s10  }
0x32: {  	s10 =	sld [smem:$0x3FAE];
	_ =	sdelay $0x3  }
0x33: {  	p0 =	seq.s32 s10, $0x1;
	s10 =	sld [smem:$0x3FB0];
	_ =	sdelay $0x3  }
0x34: {  	[smem:$0x3FB0] =	sst s10  }
0x35: {  	s10 =	sld [smem:$0x3FAF];
	_ =	sdelay $0x3  }
0x36: {  	p1 =	seq.s32 s10, $0x1;
	s10 =	sld [smem:$0x3FB0];
	_ =	sdelay $0x3  }
0x37: {  	[smem:$0x3FB0] =	sst s10  }
0x38: {  	s10 =	sld [smem:$0x3FB1]  }
0x39: {  	_ = 	snop;
	(pc) =	sbr.ind lr, $3  }
0x3a: {  	_ = 	snop  }
0x3b: {  	_ = 	snop  }
0x3c: {  	p2 =	seq.s32 s10, $0x1;
	s10 =	sld [smem:$0x3FB0]  }
0x3d: {  	_ =	shalt  }
0x3e: {  	_ =	shalt  }
0x3f: {  	_ =	shalt  }
0x40: {  	_ =	shalt  }
0x41: {  	_ =	shalt  }
0x42: {  	_ =	shalt  }
0x43: {  	_ =	shalt  }
0x44: {  	_ =	shalt  }
0x45: {  	_ =	shalt  }
0x46: {  	_ =	shalt  }
0x47: {  	_ =	shalt  }
0x48: {  	_ =	shalt  }
0x49: {  	_ =	shalt  }
0x4a: {  	_ =	shalt  }
0x4b: {  	_ =	shalt  }
0x4c: {  	_ =	shalt  }
0x4d: {  	_ =	shalt  }
0x4e: {  	_ =	shalt  }
0x4f: {  	_ =	shalt  }
0x50: {  	_ =	shalt  }
0x51: {  	_ =	shalt  }
0x52: {  	_ =	shalt  }
0x53: {  	_ =	shalt  }
0x54: {  	_ =	shalt  }
0x55: {  	_ =	shalt  }
0x56: {  	_ =	shalt  }
0x57: {  	_ =	shalt  }
0x58: {  	_ =	shalt  }
0x59: {  	_ =	shalt  }
0x5a: {  	_ =	shalt  }
0x5b: {  	_ =	shalt  }
0x5c: {  	_ =	shalt  }
0x5d: {  	_ =	shalt  }
0x5e: {  	_ =	shalt  }
0x5f: {  	_ =	shalt  }
0x60: {  	_ =	shalt  }
0x61: {  	_ =	shalt  }
0x62: {  	_ =	shalt  }
0x63: {  	_ =	shalt  }
0x64: {  	_ =	shalt  }
0x65: {  	_ =	shalt  }
0x66: {  	_ =	shalt  }
0x67: {  	_ =	shalt  }
0x68: {  	_ =	shalt  }
0x69: {  	_ =	shalt  }
0x6a: {  	_ =	shalt  }
0x6b: {  	_ =	shalt  }
0x6c: {  	_ =	shalt  }
0x6d: {  	_ =	shalt  }
0x6e: {  	_ =	shalt  }
0x6f: {  	_ =	shalt  }
0x70: {  	_ =	shalt  }
0x71: {  	_ =	shalt  }
0x72: {  	_ =	shalt  }
0x73: {  	_ =	shalt  }
0x74: {  	_ =	shalt  }
0x75: {  	_ =	shalt  }
0x76: {  	_ =	shalt  }
0x77: {  	_ =	shalt  }
0x78: {  	_ =	shalt  }
0x79: {  	_ =	shalt  }
0x7a: {  	_ =	shalt  }
0x7b: {  	_ =	shalt  }
0x7c: {  	_ =	shalt  }
0x7d: {  	_ =	shalt  }
0x7e: {  	_ =	shalt  }
0x7f: {  	_ =	shalt  }
0x80: {  	_ =	shalt  }
0x81: {  	_ =	shalt  }
0x82: {  	_ =	shalt  }
0x83: {  	_ =	shalt  }
0x84: {  	_ =	shalt  }
0x85: {  	_ =	shalt  }
0x86: {  	_ =	shalt  }
0x87: {  	_ =	shalt  }
.Lfunc_end0:
.L_simem_size_0:
called_computation.1_lowered:
.L_overlay_start_0:
0x88: {  	s2 =	sld [smem:$0x3FD9]  }
0x89: {  	s3 =	sld [smem:$0x3FFE];
	_ =	sdelay $0x1  }
0x8a: {  	s1 =	srdreg.scid  }
0x8b: {  	s0 =	sand.u32 $0x1, s1  }
0x8c: {  	s17 =	sshll.u32 s0, $0xA;
	s2 =	sadd.s32 s3, s2  }
0x8d: {  	s2 =	sadd.s32 s2, s17  }
0x8e: {  	[smem:$0x3FBC] =	sst s2  }
0x8f: {  	_ = 	snop  }
0x90: {  	s2 =	sld [smem:$0x3FD0];
	(tm) =	ssettm $0x1  }
0x91: {  	s18 =	sld [smem:$0x3FFB];
	_ =	sdelay $0x3  }
0x92: {  	_ =	strace s18  }
0x93: {  	s3 =	sld [smem:$0x3FFC];
	_ =	sdelay $0x3  }
0x94: {  	_ =	strace s3  }
0x95: {  	s3 =	sld [smem:$0x3FFD];
	_ =	sdelay $0x3  }
0x96: {  	_ =	strace s3  }
0x97: {  	_ =	strace $0x8FFFFFFF  }
0x98: {  	s19 =	sld [smem:$0x3FDB];
	_ =	sdelay $0x1  }
0x99: {  	s4 =	simm.s32 $_scs_section_size  }
0x9a: {  	s5 =	simm.s32 $_size__tile_overlayer_lowered;
	s6 =	simm.s32 $_tile_overlayer_lowered  }
0x9b: {  	s22 =	simm.s32 $0x1BFF;
	s21 =	sshll.u32 s6, $0x1;
	s3 =	sadd.s32 s4, s19  }
0x9c: {  	s7 =	simm.s32 $0x0;
	s20 =	sshll.u32 s5, $0x1;
	s5 =	sadd.s32 s21, s3  }
0x9d: {  	[timem:s7], [sflag:s22] =	dma.local [hbm:s5], s20  }
0x9e: {  	_ =	swait.ge [sflag:s22], s20  }
0x9f: {  	s4 =	ssub.s32 $0x0, s20;
	[sflag:s22] =	ssyncset.done $0x0  }
0xa0: {  	[sflag:s22] =	ssyncadd.s32 s4;
	_ =	sdelay $0x1  }
0xa1: {  	s23 =	simm.s32 $0x1B8B  }
0xa2: {  	_ =	swait.ge [sflag:s23], $0x1  }
0xa3: {  	[sflag:s23] =	ssyncset.done $0x0  }
0xa4: {  	s25 =	simm.s32 $0x1B8E;
	s24 =	sld [smem:$0x3FFE];
	[sflag:s23] =	ssyncadd.s32 $0xFFFFFFFF  }
0xa5: {  	s26 =	simm.s32 $execute0_lowered;
	[smem:$0x3FD2] =	sst s25  }
0xa6: {  	s5 =	sshll.u32 s26, $0x1;
	_ =	strace $0x80000049;
	[dreg:$0x1] =	wrdreg $0xFFFFFFFF  }
0xa7: {  	s28 =	simm.s32 $_size_execute0_lowered;
	s3 =	sadd.s32 s3, s5;
	[dreg:$0x0] =	wrdreg $0x0  }
0xa8: {  	s5 =	sshll.u32 s28, $0x1;
	[dreg:$0x2] =	wrdreg s3  }
0xa9: {  	[dreg:$0x3] =	wrdreg s5  }
0xaa: {  	[dreg:$0x4] =	wrdreg $0xC0  }
0xab: {  	_ =	task [dreg:s7], $0x5FFFF  }
0xac: {  	[dreg:$0x1] =	wrdreg $0xFFFFFFFF  }
0xad: {  	[dreg:$0x0] =	wrdreg $0x60  }
0xae: {  	[dreg:$0x2] =	wrdreg s2  }
0xaf: {  	[dreg:$0x3] =	wrdreg s24  }
0xb0: {  	[dreg:$0x4] =	wrdreg $0xA0000  }
0xb1: {  	[dreg:$0x5] =	wrdreg $0x9  }
0xb2: {  	_ =	task.clear_ibuf [dreg:s7], $0x6FFFF;
	_ =	strace $0x90000049  }
0xb3: {  	s29 =	simm.s32 $0x9;
	_ =	strace $0x8000004B  }
0xb4: {  	_ =	swait.ge [sflag:s29], $0x1  }
0xb5: {  	[sflag:s29] =	ssyncadd.s32 $0xFFFFFFFF  }
0xb6: {  	_ =	strace $0x9000004B  }
0xb7: {  	_ =	sfence  }
0xb8: {  	s30 =	sld [smem:$0x0];
	_ =	sdelay $0x2  }
0xb9: {  	s31 =	sshll.u32 s1, $0xD;
	s1 =	sshrl.u32 s1, $0x2  }
0xba: {  	s3 =	sand.u32 $0x4000, s31;
	s1 =	sadd.s32 s1, s30  }
0xbb: {  	s0 =	sor.u32 s3, s0;
	s1 =	sshll.u32 s1, $0x11  }
0xbc: {  	s0 =	sor.u32 s1, s0  }
0xbd: {  	s0 =	sadd.s32 $0x8F2B, s0  }
0xbe: {  	[sflag:s0] =	ssyncadd.remote.s32 $0x1  }
0xbf: {  	_ =	sfence.sel $0xFFFF  }
0xc0: {  	[dreg:$0x0] =	wrdreg $0xFFFFFFFF;
	(pc) =	sbr.abs _section_cstart, $3  }
0xc1: {  	[dreg:$0x1] =	wrdreg $0xFFFFFFFF  }
0xc2: {  	_ =	task.clear_ibuf [dreg:s7], $0x2FFFF;
	_ =	strace $0x9FFFFFFF  }
0xc3: {  	(tm) =	ssettm $0x7FFFFFFF  }
tec
execute0_lowered:
.L_overlay_start_1:
0x0: {  	(tag) =	ssettag $0x1  }
0x1: {  	s1 =	rddreg [dreg:$0x0]  }
0x2: {  	s0 =	rddreg [dreg:$0x1];
	s2 =	srdreg.scid  }
0x3: {  	s11 =	stileid.u32;
	s3 =	rddreg [dreg:$0x2]  }
0x4: {  	s4 =	simm.s32 $0x0;
	s13 =	simm.s32 $0x9;
	s14 =	simm.s32 $0x1000  }
0x5: {  	s15 =	simm.s32 $0x80;
	s16 =	simm.s32 $0x2000;
	s17 =	simm.s32 $0x4000  }
0x6: {  	s18 =	simm.s32 $0x100;
	s19 =	simm.s32 $0x6000;
	s20 =	simm.s32 $0x180  }
0x7: {  	s21 =	simm.s32 $0x8000;
	s28 =	simm.s32 $0x4;
	s29 =	simm.s32 $0x1180  }
0x8: {  	s30 =	simm.s32 $0x5;
	s31 =	simm.s32 $0x6;
	s2 =	sand.u32 $0x1, s2  }
0x9: {  	s7 =	smul.u32 $0x14000, s11;
	[smem:$0x7FF] =	sst s4;
	s5 =	sadd.s32 $0x13400, s0  }
0xa: {  	s10 =	sadd.s32 $0x63400, s0;
	s24 =	sshll.u32 s11, $0x6;
	s25 =	sshll.u32 s11, $0xB  }
0xb: {  	s6 =	smul.u32 $0x140000, s2;
	_ =	strace $0x8000004A;
	s9 =	ssub.s32 $0x2, s2  }
0xc: {  	[dreg:$0x4] =	wrdreg s10;
	s2 =	sshll.u32 s2, $0xF;
	s22 =	sshrl.u32 s9, $0x1  }
0xd: {  	s8 =	sadd.s32 s7, s6;
	s6 =	sadd.s32 $0x3400, s0;
	s23 =	ssub.s32 s9, s22  }
0xe: {  	s7 =	sadd.s32 s7, s3;
	s9 =	sor.u32 s25, s2;
	s22 =	simm.s32 $0x1  }
0xf: {  	s25 =	simm.s32 $0x3;
	s2 =	simm.s32 $0x7;
	s8 =	sshrl.u32 s8, $0x3  }
0x10: {  	s26 =	smax.u32 s23, $0x1;
	s10 =	sshrl.u32 s7, $0x3;
	s23 =	simm.s32 $0x2  }
0x11: {  	s0 =	sadd.s32 s8, s0;
	s8 =	sor.u32 $0x1C09, s24;
	[dreg:$0x6] =	wrdreg s26  }
0x12: {  	s24 =	simm.s32 $0x1080;
	[dreg:$0x7] =	wrdreg s10;
	s0 =	sadd.s32 $0x65C00, s0  }
0x13: {  	s26 =	simm.s32 $0x1100;
	[dreg:$0x5] =	wrdreg s0;
	s0 =	simm.s32 $0x8  }
.LBB2_1:
0x14: {  	s7 =	rddreg [dreg:$0x4]  }
0x15: {  	[spmem:s10], [sflag:s8] =	dma.local [hbm:s7], $0x2800  }
0x16: {  	_ =	swait.ge [sflag:s13], $0x2800  }
0x17: {  	[sflag:s13] =	ssyncset.done $0x0  }
0x18: {  	[sflag:s13] =	ssyncadd.s32 $0xFFFFD800  }
0x19: {  	s12 =	smov.u32 s8;
	s7 =	simm.s32 $0x0;
	[bflag:$0x0] =	sbarrier.arrive $0xFFFF  }
.LBB2_2:
0x1a: {  	s10 =	sshll.u32 s7, $0x9  }
0x1b: {  	s10 =	sadd.s32 s9, s10  }
0x1c: {  	s8 =	simm.s32 $0x0;
	s11 =	sadd.s32 s5, s10  }
0x1d: {  	[tilespmem:s8], [sflag:$0x9] =	stream.linear.gather [hbm4b:s11+s8], $0x1000, $0x38;
	[tilespmem:$0x1E000] =	vst v63  }
0x1e: {  	_ =	swait.ge [sflag:s13], $0x1000  }
0x1f: {  	[sflag:s13] =	ssyncset.done $0x0  }
0x20: {  	s10 =	sadd.s32 s6, s10;
	[sflag:s13] =	ssyncadd.s32 $0xFFFFF000  }
0x21: {  	[tilespmem:s14], [sflag:$0x9] =	stream.linear.gather [hbm4b:s10+s8], $0x1000, $0x38;
	[tilespmem:$0x1E000] =	vst v63  }
0x22: {  	_ =	swait.ge [sflag:s13], $0x1000  }
0x23: {  	[sflag:s13] =	ssyncset.done $0x0  }
0x24: {  	[sflag:s13] =	ssyncadd.s32 $0xFFFFF000  }
0x25: {  	[tilespmem:s16], [sflag:$0x1] =	stream.indirect.gather [hbm4b:s1+s15], $0x40, s8, s15, $0xb8;
	[tilespmem:$0x1E000] =	vst v63  }
0x26: {  	_ = 	snop  }
0x27: {  	[tilespmem:s17], [sflag:$0x2] =	stream.indirect.gather [hbm4b:s1+s15], $0x40, s15, s15, $0xb8;
	[tilespmem:$0x1E000] =	vst v63  }
0x28: {  	_ = 	snop  }
0x29: {  	[tilespmem:s19], [sflag:$0x3] =	stream.indirect.gather [hbm4b:s1+s15], $0x40, s18, s15, $0xb8;
	[tilespmem:$0x1E000] =	vst v63  }
0x2a: {  	_ = 	snop  }
0x2b: {  	[tilespmem:s21], [sflag:$0x4] =	stream.indirect.gather [hbm4b:s1+s15], $0x40, s20, s15, $0xb8;
	[tilespmem:$0x1E000] =	vst v63  }
0x2c: {  	_ =	swait.ge [sflag:s22], $0x2000  }
0x2d: {  	[sflag:s22] =	ssyncset.done $0x0  }
0x2e: {  	[sflag:s22] =	ssyncadd.s32 $0xFFFFE000  }
0x2f: {  	[spmem:s3] =	stream.indirect.scatter.add.f32 [tilespmem:s16], [sflag:$0x5], $0x40, s14, s15, $0xb8;
	[tilespmem:$0x1E000] =	vst v63  }
0x30: {  	_ =	swait.ge [sflag:s23], $0x2000  }
0x31: {  	[sflag:s23] =	ssyncset.done $0x0  }
0x32: {  	[sflag:s23] =	ssyncadd.s32 $0xFFFFE000  }
0x33: {  	[spmem:s3] =	stream.indirect.scatter.add.f32 [tilespmem:s17], [sflag:$0x6], $0x40, s24, s15, $0xb8;
	[tilespmem:$0x1E000] =	vst v63  }
0x34: {  	_ =	swait.ge [sflag:s25], $0x2000  }
0x35: {  	[sflag:s25] =	ssyncset.done $0x0  }
0x36: {  	[sflag:s25] =	ssyncadd.s32 $0xFFFFE000  }
0x37: {  	[spmem:s3] =	stream.indirect.scatter.add.f32 [tilespmem:s19], [sflag:$0x7], $0x40, s26, s15, $0xb8;
	[tilespmem:$0x1E000] =	vst v63  }
0x38: {  	_ =	swait.ge [sflag:s28], $0x2000  }
0x39: {  	[sflag:s28] =	ssyncset.done $0x0  }
0x3a: {  	[sflag:s28] =	ssyncadd.s32 $0xFFFFE000  }
0x3b: {  	[spmem:s3] =	stream.indirect.scatter.add.f32 [tilespmem:s21], [sflag:$0x8], $0x40, s29, s15, $0xb8;
	[tilespmem:$0x1E000] =	vst v63  }
0x3c: {  	_ =	swait.ge [sflag:s30], $0x2000  }
0x3d: {  	[sflag:s30] =	ssyncset.done $0x0  }
0x3e: {  	s11 =	simm.s32 $0x200;
	[sflag:s30] =	ssyncadd.s32 $0xFFFFE000  }
0x3f: {  	[tilespmem:s16], [sflag:$0x1] =	stream.indirect.gather [hbm4b:s1+s15], $0x40, s11, s15, $0xb8;
	[tilespmem:$0x1E000] =	vst v63  }
0x40: {  	_ =	swait.ge [sflag:s31], $0x2000  }
0x41: {  	[sflag:s31] =	ssyncset.done $0x0  }
0x42: {  	s10 =	simm.s32 $0x280;
	[sflag:s31] =	ssyncadd.s32 $0xFFFFE000  }
0x43: {  	[tilespmem:s17], [sflag:$0x2] =	stream.indirect.gather [hbm4b:s1+s15], $0x40, s10, s15, $0xb8;
	[tilespmem:$0x1E000] =	vst v63  }
0x44: {  	_ =	swait.ge [sflag:s2], $0x2000  }
0x45: {  	[sflag:s2] =	ssyncset.done $0x0  }
0x46: {  	s11 =	simm.s32 $0x300;
	[sflag:s2] =	ssyncadd.s32 $0xFFFFE000  }
0x47: {  	[tilespmem:s19], [sflag:$0x3] =	stream.indirect.gather [hbm4b:s1+s15], $0x40, s11, s15, $0xb8;
	[tilespmem:$0x1E000] =	vst v63  }
0x48: {  	_ =	swait.ge [sflag:s0], $0x2000  }
0x49: {  	[sflag:s0] =	ssyncset.done $0x0  }
0x4a: {  	s10 =	simm.s32 $0x380;
	[sflag:s0] =	ssyncadd.s32 $0xFFFFE000  }
0x4b: {  	[tilespmem:s21], [sflag:$0x4] =	stream.indirect.gather [hbm4b:s1+s15], $0x40, s10, s15, $0xb8;
	[tilespmem:$0x1E000] =	vst v63  }
0x4c: {  	_ =	swait.ge [sflag:s22], $0x2000  }
0x4d: {  	[sflag:s22] =	ssyncset.done $0x0  }
0x4e: {  	s11 =	simm.s32 $0x1200;
	[sflag:s22] =	ssyncadd.s32 $0xFFFFE000  }
0x4f: {  	[spmem:s3] =	stream.indirect.scatter.add.f32 [tilespmem:s16], [sflag:$0x5], $0x40, s11, s15, $0xb8;
	[tilespmem:$0x1E000] =	vst v63  }
0x50: {  	_ =	swait.ge [sflag:s23], $0x2000  }
0x51: {  	[sflag:s23] =	ssyncset.done $0x0  }
0x52: {  	s10 =	simm.s32 $0x1280;
	[sflag:s23] =	ssyncadd.s32 $0xFFFFE000  }
0x53: {  	[spmem:s3] =	stream.indirect.scatter.add.f32 [tilespmem:s17], [sflag:$0x6], $0x40, s10, s15, $0xb8;
	[tilespmem:$0x1E000] =	vst v63  }
0x54: {  	_ =	swait.ge [sflag:s25], $0x2000  }
0x55: {  	[sflag:s25] =	ssyncset.done $0x0  }
0x56: {  	s11 =	simm.s32 $0x1300;
	[sflag:s25] =	ssyncadd.s32 $0xFFFFE000  }
0x57: {  	[spmem:s3] =	stream.indirect.scatter.add.f32 [tilespmem:s19], [sflag:$0x7], $0x40, s11, s15, $0xb8;
	[tilespmem:$0x1E000] =	vst v63  }
0x58: {  	_ =	swait.ge [sflag:s28], $0x2000  }
0x59: {  	[sflag:s28] =	ssyncset.done $0x0  }
0x5a: {  	s10 =	simm.s32 $0x800;
	s11 =	simm.s32 $0x1380;
	[sflag:s28] =	ssyncadd.s32 $0xFFFFE000  }
.LBB2_3:
0x5b: {  	[spmem:s3] =	stream.indirect.scatter.add.f32 [tilespmem:s21], [sflag:$0x8], $0x40, s11, s15, $0xb8;
	[tilespmem:$0x1E000] =	vst v63  }
0x5c: {  	s8 =	smov.u32 s10  }
0x5d: {  	p0 =	sne.s32 s10, $0x3000;
	s10 =	sadd.s32 $0x800, s10;
	_ =	swait.ge [sflag:s30], $0x2000  }
0x5e: {  	s11 =	sshra.s32 s8, $0x2;
	[sflag:s30] =	ssyncset.done $0x0  }
0x5f: {  	s8 =	sadd.s32 $0x200, s11;
	[sflag:s30] =	ssyncadd.s32 $0xFFFFE000  }
0x60: {  	[tilespmem:s16], [sflag:$0x1] =	stream.indirect.gather [hbm4b:s1+s15], $0x40, s8, s15, $0xb8;
	[tilespmem:$0x1E000] =	vst v63  }
0x61: {  	_ =	swait.ge [sflag:s31], $0x2000  }
0x62: {  	[sflag:s31] =	ssyncset.done $0x0  }
0x63: {  	s8 =	sadd.s32 $0x280, s11;
	[sflag:s31] =	ssyncadd.s32 $0xFFFFE000  }
0x64: {  	[tilespmem:s17], [sflag:$0x2] =	stream.indirect.gather [hbm4b:s1+s15], $0x40, s8, s15, $0xb8;
	[tilespmem:$0x1E000] =	vst v63  }
0x65: {  	_ =	swait.ge [sflag:s2], $0x2000  }
0x66: {  	[sflag:s2] =	ssyncset.done $0x0  }
0x67: {  	s8 =	sadd.s32 $0x300, s11;
	[sflag:s2] =	ssyncadd.s32 $0xFFFFE000  }
0x68: {  	[tilespmem:s19], [sflag:$0x3] =	stream.indirect.gather [hbm4b:s1+s15], $0x40, s8, s15, $0xb8;
	[tilespmem:$0x1E000] =	vst v63  }
0x69: {  	_ =	swait.ge [sflag:s0], $0x2000  }
0x6a: {  	[sflag:s0] =	ssyncset.done $0x0  }
0x6b: {  	s8 =	sadd.s32 $0x380, s11;
	[sflag:s0] =	ssyncadd.s32 $0xFFFFE000  }
0x6c: {  	[tilespmem:s21], [sflag:$0x4] =	stream.indirect.gather [hbm4b:s1+s15], $0x40, s8, s15, $0xb8;
	[tilespmem:$0x1E000] =	vst v63  }
0x6d: {  	_ =	swait.ge [sflag:s22], $0x2000  }
0x6e: {  	[sflag:s22] =	ssyncset.done $0x0  }
0x6f: {  	s8 =	sadd.s32 $0x1200, s11;
	[sflag:s22] =	ssyncadd.s32 $0xFFFFE000  }
0x70: {  	[spmem:s3] =	stream.indirect.scatter.add.f32 [tilespmem:s16], [sflag:$0x5], $0x40, s8, s15, $0xb8;
	[tilespmem:$0x1E000] =	vst v63  }
0x71: {  	_ =	swait.ge [sflag:s23], $0x2000  }
0x72: {  	[sflag:s23] =	ssyncset.done $0x0  }
0x73: {  	s8 =	sadd.s32 $0x1280, s11;
	[sflag:s23] =	ssyncadd.s32 $0xFFFFE000  }
0x74: {  	[spmem:s3] =	stream.indirect.scatter.add.f32 [tilespmem:s17], [sflag:$0x6], $0x40, s8, s15, $0xb8;
	[tilespmem:$0x1E000] =	vst v63  }
0x75: {  	_ =	swait.ge [sflag:s25], $0x2000  }
0x76: {  	[sflag:s25] =	ssyncset.done $0x0  }
.Ltmp0:
0x77: {  	s8 =	sadd.s32 $0x1300, s11;
	[sflag:s25] =	ssyncadd.s32 $0xFFFFE000;
	(pc) =	sbr.rel @p0 .LBB2_3-.Ltmp0, $4  }
0x78: {  	[spmem:s3] =	stream.indirect.scatter.add.f32 [tilespmem:s19], [sflag:$0x7], $0x40, s8, s15, $0xb8;
	[tilespmem:$0x1E000] =	vst v63  }
0x79: {  	_ =	swait.ge [sflag:s28], $0x2000  }
0x7a: {  	[sflag:s28] =	ssyncset.done $0x0  }
0x7b: {  	s11 =	sadd.s32 $0x1380, s11;
	[sflag:s28] =	ssyncadd.s32 $0xFFFFE000  }
0x7c: {  	[spmem:s3] =	stream.indirect.scatter.add.f32 [tilespmem:s21], [sflag:$0x8], $0x40, s11, s15, $0xb8;
	[tilespmem:$0x1E000] =	vst v63  }
0x7d: {  	_ =	swait.ge [sflag:s30], $0x2000  }
0x7e: {  	[sflag:s30] =	ssyncset.done $0x0  }
0x7f: {  	[sflag:s30] =	ssyncadd.s32 $0xFFFFE000  }
0x80: {  	_ =	swait.ge [sflag:s31], $0x2000  }
0x81: {  	[sflag:s31] =	ssyncset.done $0x0  }
0x82: {  	s7 =	sadd.s32 $0x1, s7;
	[sflag:s31] =	ssyncadd.s32 $0xFFFFE000  }
0x83: {  	p0 =	sne.s32 s7, $0x4;
	_ =	swait.ge [sflag:s2], $0x2000  }
.Ltmp1:
0x84: {  	[sflag:s2] =	ssyncset.done $0x0;
	(pc) =	sbr.rel @p0 .LBB2_2-.Ltmp1, $4  }
0x85: {  	[sflag:s2] =	ssyncadd.s32 $0xFFFFE000  }
0x86: {  	_ =	swait.ge [sflag:s0], $0x2000  }
0x87: {  	[sflag:s0] =	ssyncset.done $0x0  }
0x88: {  	[sflag:s0] =	ssyncadd.s32 $0xFFFFE000  }
0x89: {  	[bflag:$0x0] =	sbarrier.arrive $0xFFFF  }
0x8a: {  	s7 =	rddreg [dreg:$0x5]  }
0x8b: {  	s10 =	rddreg [dreg:$0x7]  }
0x8c: {  	[hbm:s7], [sflag:s12] =	dma.local [spmem:s10], $0x2800  }
0x8d: {  	_ =	swait.ge [sflag:s13], $0x2800  }
0x8e: {  	s8 =	smov.u32 s12;
	s4 =	sadd.s32 $0x1, s4;
	s12 =	rddreg [dreg:$0x6]  }
0x8f: {  	p0 =	sne.s32 s4, s12  }
.Ltmp2:
0x90: {  	_ = 	snop;
	(pc) =	sbr.rel @p0 .LBB2_1-.Ltmp2, $3  }
0x91: {  	_ =	sdelay $0x1  }
0x92: {  	[sflag:s13] =	ssyncset.done $0x0  }
0x93: {  	[sflag:s13] =	ssyncadd.s32 $0xFFFFD800  }
0x94: {  	_ =	sfence.sel $0x180000  }
0x95: {  	[bflag:$0x0] =	sbarrier.arrive $0xFFFF  }
0x96: {  	_ =	strace $0x9000004A  }
0x97: {  	s0 =	stileid.u32;
	[bflag:$0x2] =	sbarrier.arrive $0xFFFF  }
0x98: {  	p0 =	sne.s32 s0, $0x0;
	s0 =	rddreg [dreg:$0x3]  }
0x99: {  	s0 =	sadd.s32 @!p0 $0x100000, s0  }
0x9a: {  	[sflag:s0] =	ssyncadd.tile.s32 @!p0 $0x1;
	_ =	shalt  }
.Lfunc_end2:
_tile_overlayer_lowered:
.L_overlay_start_2:
0x9b: {  	(tag) =	ssettag $0x2  }
0x9c: {  	s0 =	rddreg [dreg:$0x0];
	s2 =	stileid.u32  }
0x9d: {  	s1 =	rddreg [dreg:$0x1];
	p0 =	sne.s32 s2, $0x0  }
0x9e: {  	s3 =	rddreg [dreg:$0x2];
	[bflag:$0x3] =	sbarrier.arrive $0xFFFF;
	s2 =	simm.s32 @!p0 $0x1C09  }
0x9f: {  	[timem:s3], [sflag:s2] =	dma.local @!p0 [hbm:s0], s1  }
0xa0: {  	s0 =	simm.s32 @!p0 $0x9  }
0xa1: {  	_ =	swait.ge @!p0 [sflag:s0], s1  }
0xa2: {  	s1 =	ssub.s32 @!p0 $0x0, s1;
	[sflag:s0] =	ssyncset.done @!p0 $0x0  }
0xa3: {  	[sflag:s0] =	ssyncadd.s32 @!p0 s1  }
0xa4: {  	[bflag:$0x3] =	sbarrier.arrive $0xFFFF  }
0xa5: {  	_ =	shalt  }

// kernel: kernel.14.cloned.1.call-start
scs
__scs_entry_jumppad:
0x0: {  	(pc) =	sbr.rel $0x88, $3  }
0x1: {  	(tag) =	ssettag $0x0;
	lr =	simm.s32 $0x1  }
0x2: {  	[smem:$0x3F95] =	sst lr;
	_ =	strace $0xD0000000  }
0x3: {  	_ = 	snop  }
0x4: {  	_ = 	snop  }
0x5: {  	_ = 	snop  }
0x6: {  	_ = 	snop  }
0x7: {  	_ = 	snop  }
__scs_overlays_trampoline_lowered:
0x8: {  	[smem:$0x3FA4] =	sst s0  }
0x9: {  	[smem:$0x3FA5] =	sst s1  }
0xa: {  	[smem:$0x3FA6] =	sst s2  }
0xb: {  	[smem:$0x3FA7] =	sst s3  }
0xc: {  	[smem:$0x3FA8] =	sst s4  }
0xd: {  	[smem:$0x3FA9] =	sst s5  }
0xe: {  	[smem:$0x3FAA] =	sst s6  }
0xf: {  	[smem:$0x3FAB] =	sst s7  }
0x10: {  	[smem:$0x3FAC] =	sst s8  }
0x11: {  	[smem:$0x3FAD] =	sst s9;
	s0 =	simm.s32 @!p0 $0x0  }
0x12: {  	s1 =	sld [smem:$0x3F93];
	s0 =	simm.s32 @p0 $0x1  }
0x13: {  	[smem:$0x3FAE] =	sst s0;
	s0 =	simm.s32 @!p1 $0x0  }
0x14: {  	s2 =	sld [smem:$0x3F92];
	s0 =	simm.s32 @p1 $0x1  }
0x15: {  	[smem:$0x3FAF] =	sst s0;
	s0 =	simm.s32 @!p2 $0x0  }
0x16: {  	s3 =	sld [smem:$0x3FDB];
	s0 =	simm.s32 @p2 $0x1  }
0x17: {  	s4 =	simm.s32 $0x1BF5;
	[smem:$0x3FB1] =	sst s0  }
0x18: {  	s0 =	sld [smem:$0x3F94];
	_ =	swait.ge [sflag:s4], $0x0  }
0x19: {  	s7 =	sld [smem:$0x3F95]  }
0x1a: {  	s8 =	sadd.s32 $0xFFFFE003, lr  }
0x1b: {  	s9 =	sadd.s32 $0xFFFFFEF7, lr;
	s5 =	simm.s32 $0xFFFFFFFF;
	p2 =	slt.u32 s8, $0xFFFFF086  }
0x1c: {  	p1 =	slt.u32 s9, $0xF7A;
	s5 =	simm.s32 @!p2 $0x0  }
0x1d: {  	s5 =	simm.s32 @p1 $0x1;
	p0 =	seq.s32 s7, s2  }
0x1e: {  	s7 =	smul.u32 @!p0 $0xF7A, s2;
	p2 =	seq.s32 @!p0 s5, $0x0  }
0x1f: {  	s9 =	smul.u32 $0xF7A, s1;
	s8 =	simm.s32 @!p0 $0x1BF5;
	p2 =	por !p2, p0  }
0x20: {  	[sflag:s8] =	ssyncset.s32 @!p0 $0xFFFFF086;
	s6 =	sadd.s32 @!p0 s3, s7;
	s7 =	simm.s32 @!p0 $0x108  }
0x21: {  	s3 =	sadd.s32 s3, s9;
	s6 =	sadd.s32 @!p0 $0x88, s6;
	s7 =	simm.s32 @p2 $0x1082  }
0x22: {  	[simem:s7], [sflag:s8] =	dma.local @!p0 [hbm:s6], $0xF7A  }
0x23: {  	s9 =	sor.u32 $0xD0000000, s2;
	s6 =	simm.s32 $0x108;
	_ =	swait.ge @!p0 [sflag:s8], $0x0  }
0x24: {  	s3 =	sadd.s32 $0x88, s3;
	s6 =	simm.s32 @!p1 $0x1082;
	[sflag:s4] =	ssyncset.s32 $0xFFFFF086  }
0x25: {  	[simem:s6], [sflag:s4] =	dma.local [hbm:s3], $0xF7A  }
0x26: {  	[smem:$0x3F95] =	sst s1;
	(tag) =	ssettag s2;
	_ =	strace s9  }
0x27: {  	s1 =	sld [smem:$0x3FA5]  }
0x28: {  	s2 =	sld [smem:$0x3FA6]  }
0x29: {  	s4 =	sld [smem:$0x3FA8]  }
0x2a: {  	p0 =	seq.s32 s5, $0x0;
	s5 =	sld [smem:$0x3FA9]  }
0x2b: {  	s6 =	sld [smem:$0x3FAA]  }
0x2c: {  	s7 =	sld [smem:$0x3FAB]  }
0x2d: {  	s3 =	simm.s32 $0x108;
	s8 =	sld [smem:$0x3FAC]  }
0x2e: {  	s3 =	simm.s32 @!p0 $0x1082;
	s9 =	sld [smem:$0x3FAD]  }
0x2f: {  	lr =	sadd.s32 s0, s3;
	s0 =	sld [smem:$0x3FA4]  }
0x30: {  	s3 =	sld [smem:$0x3FA7]  }
0x31: {  	[smem:$0x3FB0] =	sst s10  }
0x32: {  	s10 =	sld [smem:$0x3FAE];
	_ =	sdelay $0x3  }
0x33: {  	p0 =	seq.s32 s10, $0x1;
	s10 =	sld [smem:$0x3FB0];
	_ =	sdelay $0x3  }
0x34: {  	[smem:$0x3FB0] =	sst s10  }
0x35: {  	s10 =	sld [smem:$0x3FAF];
	_ =	sdelay $0x3  }
0x36: {  	p1 =	seq.s32 s10, $0x1;
	s10 =	sld [smem:$0x3FB0];
	_ =	sdelay $0x3  }
0x37: {  	[smem:$0x3FB0] =	sst s10  }
0x38: {  	s10 =	sld [smem:$0x3FB1]  }
0x39: {  	_ = 	snop;
	(pc) =	sbr.ind lr, $3  }
0x3a: {  	_ = 	snop  }
0x3b: {  	_ = 	snop  }
0x3c: {  	p2 =	seq.s32 s10, $0x1;
	s10 =	sld [smem:$0x3FB0]  }
0x3d: {  	_ =	shalt  }
0x3e: {  	_ =	shalt  }
0x3f: {  	_ =	shalt  }
0x40: {  	_ =	shalt  }
0x41: {  	_ =	shalt  }
0x42: {  	_ =	shalt  }
0x43: {  	_ =	shalt  }
0x44: {  	_ =	shalt  }
0x45: {  	_ =	shalt  }
0x46: {  	_ =	shalt  }
0x47: {  	_ =	shalt  }
0x48: {  	_ =	shalt  }
0x49: {  	_ =	shalt  }
0x4a: {  	_ =	shalt  }
0x4b: {  	_ =	shalt  }
0x4c: {  	_ =	shalt  }
0x4d: {  	_ =	shalt  }
0x4e: {  	_ =	shalt  }
0x4f: {  	_ =	shalt  }
0x50: {  	_ =	shalt  }
0x51: {  	_ =	shalt  }
0x52: {  	_ =	shalt  }
0x53: {  	_ =	shalt  }
0x54: {  	_ =	shalt  }
0x55: {  	_ =	shalt  }
0x56: {  	_ =	shalt  }
0x57: {  	_ =	shalt  }
0x58: {  	_ =	shalt  }
0x59: {  	_ =	shalt  }
0x5a: {  	_ =	shalt  }
0x5b: {  	_ =	shalt  }
0x5c: {  	_ =	shalt  }
0x5d: {  	_ =	shalt  }
0x5e: {  	_ =	shalt  }
0x5f: {  	_ =	shalt  }
0x60: {  	_ =	shalt  }
0x61: {  	_ =	shalt  }
0x62: {  	_ =	shalt  }
0x63: {  	_ =	shalt  }
0x64: {  	_ =	shalt  }
0x65: {  	_ =	shalt  }
0x66: {  	_ =	shalt  }
0x67: {  	_ =	shalt  }
0x68: {  	_ =	shalt  }
0x69: {  	_ =	shalt  }
0x6a: {  	_ =	shalt  }
0x6b: {  	_ =	shalt  }
0x6c: {  	_ =	shalt  }
0x6d: {  	_ =	shalt  }
0x6e: {  	_ =	shalt  }
0x6f: {  	_ =	shalt  }
0x70: {  	_ =	shalt  }
0x71: {  	_ =	shalt  }
0x72: {  	_ =	shalt  }
0x73: {  	_ =	shalt  }
0x74: {  	_ =	shalt  }
0x75: {  	_ =	shalt  }
0x76: {  	_ =	shalt  }
0x77: {  	_ =	shalt  }
0x78: {  	_ =	shalt  }
0x79: {  	_ =	shalt  }
0x7a: {  	_ =	shalt  }
0x7b: {  	_ =	shalt  }
0x7c: {  	_ =	shalt  }
0x7d: {  	_ =	shalt  }
0x7e: {  	_ =	shalt  }
0x7f: {  	_ =	shalt  }
0x80: {  	_ =	shalt  }
0x81: {  	_ =	shalt  }
0x82: {  	_ =	shalt  }
0x83: {  	_ =	shalt  }
0x84: {  	_ =	shalt  }
0x85: {  	_ =	shalt  }
0x86: {  	_ =	shalt  }
0x87: {  	_ =	shalt  }
.Lfunc_end0:
.L_simem_size_0:
called_computation.2_lowered:
.L_overlay_start_0:
0x88: {  	s2 =	sld [smem:$0x3FD9]  }
0x89: {  	s3 =	sld [smem:$0x3FFE];
	_ =	sdelay $0x1  }
0x8a: {  	s1 =	srdreg.scid  }
0x8b: {  	s0 =	sand.u32 $0x1, s1  }
0x8c: {  	s17 =	sshll.u32 s0, $0xA;
	s2 =	sadd.s32 s3, s2  }
0x8d: {  	s2 =	sadd.s32 s2, s17  }
0x8e: {  	[smem:$0x3FBC] =	sst s2  }
0x8f: {  	_ = 	snop  }
0x90: {  	s2 =	sld [smem:$0x3FD0];
	(tm) =	ssettm $0x1  }
0x91: {  	s18 =	sld [smem:$0x3FFB];
	_ =	sdelay $0x3  }
0x92: {  	_ =	strace s18  }
0x93: {  	s3 =	sld [smem:$0x3FFC];
	_ =	sdelay $0x3  }
0x94: {  	_ =	strace s3  }
0x95: {  	s3 =	sld [smem:$0x3FFD];
	_ =	sdelay $0x3  }
0x96: {  	_ =	strace s3  }
0x97: {  	_ =	strace $0x8FFFFFFF  }
0x98: {  	s19 =	sld [smem:$0x3FDB];
	_ =	sdelay $0x1  }
0x99: {  	s4 =	simm.s32 $_scs_section_size  }
0x9a: {  	s5 =	simm.s32 $_size__tile_overlayer_lowered;
	s6 =	simm.s32 $_tile_overlayer_lowered  }
0x9b: {  	s22 =	simm.s32 $0x1BFF;
	s21 =	sshll.u32 s6, $0x1;
	s3 =	sadd.s32 s4, s19  }
0x9c: {  	s7 =	simm.s32 $0x0;
	s20 =	sshll.u32 s5, $0x1;
	s5 =	sadd.s32 s21, s3  }
0x9d: {  	[timem:s7], [sflag:s22] =	dma.local [hbm:s5], s20  }
0x9e: {  	_ =	swait.ge [sflag:s22], s20  }
0x9f: {  	s4 =	ssub.s32 $0x0, s20;
	[sflag:s22] =	ssyncset.done $0x0  }
0xa0: {  	[sflag:s22] =	ssyncadd.s32 s4;
	_ =	sdelay $0x1  }
0xa1: {  	s23 =	simm.s32 $0x1B8B  }
0xa2: {  	_ =	swait.ge [sflag:s23], $0x1  }
0xa3: {  	[sflag:s23] =	ssyncset.done $0x0  }
0xa4: {  	s25 =	simm.s32 $0x1B8E;
	s24 =	sld [smem:$0x3FFE];
	[sflag:s23] =	ssyncadd.s32 $0xFFFFFFFF  }
0xa5: {  	s26 =	simm.s32 $execute0_lowered;
	[smem:$0x3FD2] =	sst s25  }
0xa6: {  	s5 =	sshll.u32 s26, $0x1;
	_ =	strace $0x8000004C;
	[dreg:$0x1] =	wrdreg $0xFFFFFFFF  }
0xa7: {  	s28 =	simm.s32 $_size_execute0_lowered;
	s3 =	sadd.s32 s3, s5;
	[dreg:$0x0] =	wrdreg $0x0  }
0xa8: {  	s5 =	sshll.u32 s28, $0x1;
	[dreg:$0x2] =	wrdreg s3  }
0xa9: {  	[dreg:$0x3] =	wrdreg s5  }
0xaa: {  	[dreg:$0x4] =	wrdreg $0xC0  }
0xab: {  	_ =	task [dreg:s7], $0x5FFFF  }
0xac: {  	[dreg:$0x1] =	wrdreg $0xFFFFFFFF  }
0xad: {  	[dreg:$0x0] =	wrdreg $0x60  }
0xae: {  	[dreg:$0x2] =	wrdreg s2  }
0xaf: {  	[dreg:$0x3] =	wrdreg s24  }
0xb0: {  	[dreg:$0x4] =	wrdreg $0xA0000  }
0xb1: {  	[dreg:$0x5] =	wrdreg $0x9  }
0xb2: {  	_ =	task.clear_ibuf [dreg:s7], $0x6FFFF;
	_ =	strace $0x9000004C  }
0xb3: {  	s29 =	simm.s32 $0x9;
	_ =	strace $0x8000004E  }
0xb4: {  	_ =	swait.ge [sflag:s29], $0x1  }
0xb5: {  	[sflag:s29] =	ssyncadd.s32 $0xFFFFFFFF  }
0xb6: {  	_ =	strace $0x9000004E  }
0xb7: {  	_ =	sfence  }
0xb8: {  	s30 =	sld [smem:$0x0];
	_ =	sdelay $0x2  }
0xb9: {  	s31 =	sshll.u32 s1, $0xD;
	s1 =	sshrl.u32 s1, $0x2  }
0xba: {  	s3 =	sand.u32 $0x4000, s31;
	s1 =	sadd.s32 s1, s30  }
0xbb: {  	s0 =	sor.u32 s3, s0;
	s1 =	sshll.u32 s1, $0x11  }
0xbc: {  	s0 =	sor.u32 s1, s0  }
0xbd: {  	s0 =	sadd.s32 $0x8F2B, s0  }
0xbe: {  	[sflag:s0] =	ssyncadd.remote.s32 $0x1  }
0xbf: {  	_ =	sfence.sel $0xFFFF  }
0xc0: {  	[dreg:$0x0] =	wrdreg $0xFFFFFFFF;
	(pc) =	sbr.abs _section_cstart, $3  }
0xc1: {  	[dreg:$0x1] =	wrdreg $0xFFFFFFFF  }
0xc2: {  	_ =	task.clear_ibuf [dreg:s7], $0x2FFFF;
	_ =	strace $0x9FFFFFFF  }
0xc3: {  	(tm) =	ssettm $0x7FFFFFFF  }
tec
execute0_lowered:
.L_overlay_start_1:
0x0: {  	(tag) =	ssettag $0x1  }
0x1: {  	s1 =	rddreg [dreg:$0x0]  }
0x2: {  	s0 =	rddreg [dreg:$0x1];
	s2 =	srdreg.scid  }
0x3: {  	s11 =	stileid.u32;
	s3 =	rddreg [dreg:$0x2]  }
0x4: {  	s4 =	simm.s32 $0x0;
	s13 =	simm.s32 $0x9;
	s14 =	simm.s32 $0x1000  }
0x5: {  	s15 =	simm.s32 $0x80;
	s16 =	simm.s32 $0x2000;
	s17 =	simm.s32 $0x4000  }
0x6: {  	s18 =	simm.s32 $0x100;
	s19 =	simm.s32 $0x6000;
	s20 =	simm.s32 $0x180  }
0x7: {  	s21 =	simm.s32 $0x8000;
	s28 =	simm.s32 $0x4;
	s29 =	simm.s32 $0x1180  }
0x8: {  	s30 =	simm.s32 $0x5;
	s31 =	simm.s32 $0x6;
	s2 =	sand.u32 $0x1, s2  }
0x9: {  	s7 =	smul.u32 $0x14000, s11;
	[smem:$0x7FF] =	sst s4;
	s5 =	sadd.s32 $0x13400, s0  }
0xa: {  	s10 =	sadd.s32 $0x63400, s0;
	s24 =	sshll.u32 s11, $0x6;
	s25 =	sshll.u32 s11, $0xB  }
0xb: {  	s6 =	smul.u32 $0x140000, s2;
	_ =	strace $0x8000004D;
	s9 =	ssub.s32 $0x2, s2  }
0xc: {  	[dreg:$0x4] =	wrdreg s10;
	s2 =	sshll.u32 s2, $0xF;
	s22 =	sshrl.u32 s9, $0x1  }
0xd: {  	s8 =	sadd.s32 s7, s6;
	s6 =	sadd.s32 $0x3400, s0;
	s23 =	ssub.s32 s9, s22  }
0xe: {  	s7 =	sadd.s32 s7, s3;
	s9 =	sor.u32 s25, s2;
	s22 =	simm.s32 $0x1  }
0xf: {  	s25 =	simm.s32 $0x3;
	s2 =	simm.s32 $0x7;
	s8 =	sshrl.u32 s8, $0x3  }
0x10: {  	s26 =	smax.u32 s23, $0x1;
	s10 =	sshrl.u32 s7, $0x3;
	s23 =	simm.s32 $0x2  }
0x11: {  	s0 =	sadd.s32 s8, s0;
	s8 =	sor.u32 $0x1C09, s24;
	[dreg:$0x6] =	wrdreg s26  }
0x12: {  	s24 =	simm.s32 $0x1080;
	[dreg:$0x7] =	wrdreg s10;
	s0 =	sadd.s32 $0x105C00, s0  }
0x13: {  	s26 =	simm.s32 $0x1100;
	[dreg:$0x5] =	wrdreg s0;
	s0 =	simm.s32 $0x8  }
.LBB2_1:
0x14: {  	s7 =	rddreg [dreg:$0x4]  }
0x15: {  	[spmem:s10], [sflag:s8] =	dma.local [hbm:s7], $0x2800  }
0x16: {  	_ =	swait.ge [sflag:s13], $0x2800  }
0x17: {  	[sflag:s13] =	ssyncset.done $0x0  }
0x18: {  	[sflag:s13] =	ssyncadd.s32 $0xFFFFD800  }
0x19: {  	s12 =	smov.u32 s8;
	s7 =	simm.s32 $0x0;
	[bflag:$0x0] =	sbarrier.arrive $0xFFFF  }
.LBB2_2:
0x1a: {  	s10 =	sshll.u32 s7, $0x9  }
0x1b: {  	s10 =	sadd.s32 s9, s10  }
0x1c: {  	s8 =	simm.s32 $0x0;
	s11 =	sadd.s32 s5, s10  }
0x1d: {  	[tilespmem:s8], [sflag:$0x9] =	stream.linear.gather [hbm4b:s11+s8], $0x1000, $0x38;
	[tilespmem:$0x1E000] =	vst v63  }
0x1e: {  	_ =	swait.ge [sflag:s13], $0x1000  }
0x1f: {  	[sflag:s13] =	ssyncset.done $0x0  }
0x20: {  	s10 =	sadd.s32 s6, s10;
	[sflag:s13] =	ssyncadd.s32 $0xFFFFF000  }
0x21: {  	[tilespmem:s14], [sflag:$0x9] =	stream.linear.gather [hbm4b:s10+s8], $0x1000, $0x38;
	[tilespmem:$0x1E000] =	vst v63  }
0x22: {  	_ =	swait.ge [sflag:s13], $0x1000  }
0x23: {  	[sflag:s13] =	ssyncset.done $0x0  }
0x24: {  	[sflag:s13] =	ssyncadd.s32 $0xFFFFF000  }
0x25: {  	[tilespmem:s16], [sflag:$0x1] =	stream.indirect.gather [hbm4b:s1+s15], $0x40, s8, s15, $0xb8;
	[tilespmem:$0x1E000] =	vst v63  }
0x26: {  	_ = 	snop  }
0x27: {  	[tilespmem:s17], [sflag:$0x2] =	stream.indirect.gather [hbm4b:s1+s15], $0x40, s15, s15, $0xb8;
	[tilespmem:$0x1E000] =	vst v63  }
0x28: {  	_ = 	snop  }
0x29: {  	[tilespmem:s19], [sflag:$0x3] =	stream.indirect.gather [hbm4b:s1+s15], $0x40, s18, s15, $0xb8;
	[tilespmem:$0x1E000] =	vst v63  }
0x2a: {  	_ = 	snop  }
0x2b: {  	[tilespmem:s21], [sflag:$0x4] =	stream.indirect.gather [hbm4b:s1+s15], $0x40, s20, s15, $0xb8;
	[tilespmem:$0x1E000] =	vst v63  }
0x2c: {  	_ =	swait.ge [sflag:s22], $0x2000  }
0x2d: {  	[sflag:s22] =	ssyncset.done $0x0  }
0x2e: {  	[sflag:s22] =	ssyncadd.s32 $0xFFFFE000  }
0x2f: {  	[spmem:s3] =	stream.indirect.scatter.add.f32 [tilespmem:s16], [sflag:$0x5], $0x40, s14, s15, $0xb8;
	[tilespmem:$0x1E000] =	vst v63  }
0x30: {  	_ =	swait.ge [sflag:s23], $0x2000  }
0x31: {  	[sflag:s23] =	ssyncset.done $0x0  }
0x32: {  	[sflag:s23] =	ssyncadd.s32 $0xFFFFE000  }
0x33: {  	[spmem:s3] =	stream.indirect.scatter.add.f32 [tilespmem:s17], [sflag:$0x6], $0x40, s24, s15, $0xb8;
	[tilespmem:$0x1E000] =	vst v63  }
0x34: {  	_ =	swait.ge [sflag:s25], $0x2000  }
0x35: {  	[sflag:s25] =	ssyncset.done $0x0  }
0x36: {  	[sflag:s25] =	ssyncadd.s32 $0xFFFFE000  }
0x37: {  	[spmem:s3] =	stream.indirect.scatter.add.f32 [tilespmem:s19], [sflag:$0x7], $0x40, s26, s15, $0xb8;
	[tilespmem:$0x1E000] =	vst v63  }
0x38: {  	_ =	swait.ge [sflag:s28], $0x2000  }
0x39: {  	[sflag:s28] =	ssyncset.done $0x0  }
0x3a: {  	[sflag:s28] =	ssyncadd.s32 $0xFFFFE000  }
0x3b: {  	[spmem:s3] =	stream.indirect.scatter.add.f32 [tilespmem:s21], [sflag:$0x8], $0x40, s29, s15, $0xb8;
	[tilespmem:$0x1E000] =	vst v63  }
0x3c: {  	_ =	swait.ge [sflag:s30], $0x2000  }
0x3d: {  	[sflag:s30] =	ssyncset.done $0x0  }
0x3e: {  	s11 =	simm.s32 $0x200;
	[sflag:s30] =	ssyncadd.s32 $0xFFFFE000  }
0x3f: {  	[tilespmem:s16], [sflag:$0x1] =	stream.indirect.gather [hbm4b:s1+s15], $0x40, s11, s15, $0xb8;
	[tilespmem:$0x1E000] =	vst v63  }
0x40: {  	_ =	swait.ge [sflag:s31], $0x2000  }
0x41: {  	[sflag:s31] =	ssyncset.done $0x0  }
0x42: {  	s10 =	simm.s32 $0x280;
	[sflag:s31] =	ssyncadd.s32 $0xFFFFE000  }
0x43: {  	[tilespmem:s17], [sflag:$0x2] =	stream.indirect.gather [hbm4b:s1+s15], $0x40, s10, s15, $0xb8;
	[tilespmem:$0x1E000] =	vst v63  }
0x44: {  	_ =	swait.ge [sflag:s2], $0x2000  }
0x45: {  	[sflag:s2] =	ssyncset.done $0x0  }
0x46: {  	s11 =	simm.s32 $0x300;
	[sflag:s2] =	ssyncadd.s32 $0xFFFFE000  }
0x47: {  	[tilespmem:s19], [sflag:$0x3] =	stream.indirect.gather [hbm4b:s1+s15], $0x40, s11, s15, $0xb8;
	[tilespmem:$0x1E000] =	vst v63  }
0x48: {  	_ =	swait.ge [sflag:s0], $0x2000  }
0x49: {  	[sflag:s0] =	ssyncset.done $0x0  }
0x4a: {  	s10 =	simm.s32 $0x380;
	[sflag:s0] =	ssyncadd.s32 $0xFFFFE000  }
0x4b: {  	[tilespmem:s21], [sflag:$0x4] =	stream.indirect.gather [hbm4b:s1+s15], $0x40, s10, s15, $0xb8;
	[tilespmem:$0x1E000] =	vst v63  }
0x4c: {  	_ =	swait.ge [sflag:s22], $0x2000  }
0x4d: {  	[sflag:s22] =	ssyncset.done $0x0  }
0x4e: {  	s11 =	simm.s32 $0x1200;
	[sflag:s22] =	ssyncadd.s32 $0xFFFFE000  }
0x4f: {  	[spmem:s3] =	stream.indirect.scatter.add.f32 [tilespmem:s16], [sflag:$0x5], $0x40, s11, s15, $0xb8;
	[tilespmem:$0x1E000] =	vst v63  }
0x50: {  	_ =	swait.ge [sflag:s23], $0x2000  }
0x51: {  	[sflag:s23] =	ssyncset.done $0x0  }
0x52: {  	s10 =	simm.s32 $0x1280;
	[sflag:s23] =	ssyncadd.s32 $0xFFFFE000  }
0x53: {  	[spmem:s3] =	stream.indirect.scatter.add.f32 [tilespmem:s17], [sflag:$0x6], $0x40, s10, s15, $0xb8;
	[tilespmem:$0x1E000] =	vst v63  }
0x54: {  	_ =	swait.ge [sflag:s25], $0x2000  }
0x55: {  	[sflag:s25] =	ssyncset.done $0x0  }
0x56: {  	s11 =	simm.s32 $0x1300;
	[sflag:s25] =	ssyncadd.s32 $0xFFFFE000  }
0x57: {  	[spmem:s3] =	stream.indirect.scatter.add.f32 [tilespmem:s19], [sflag:$0x7], $0x40, s11, s15, $0xb8;
	[tilespmem:$0x1E000] =	vst v63  }
0x58: {  	_ =	swait.ge [sflag:s28], $0x2000  }
0x59: {  	[sflag:s28] =	ssyncset.done $0x0  }
0x5a: {  	s10 =	simm.s32 $0x800;
	s11 =	simm.s32 $0x1380;
	[sflag:s28] =	ssyncadd.s32 $0xFFFFE000  }
.LBB2_3:
0x5b: {  	[spmem:s3] =	stream.indirect.scatter.add.f32 [tilespmem:s21], [sflag:$0x8], $0x40, s11, s15, $0xb8;
	[tilespmem:$0x1E000] =	vst v63  }
0x5c: {  	s8 =	smov.u32 s10  }
0x5d: {  	p0 =	sne.s32 s10, $0x3000;
	s10 =	sadd.s32 $0x800, s10;
	_ =	swait.ge [sflag:s30], $0x2000  }
0x5e: {  	s11 =	sshra.s32 s8, $0x2;
	[sflag:s30] =	ssyncset.done $0x0  }
0x5f: {  	s8 =	sadd.s32 $0x200, s11;
	[sflag:s30] =	ssyncadd.s32 $0xFFFFE000  }
0x60: {  	[tilespmem:s16], [sflag:$0x1] =	stream.indirect.gather [hbm4b:s1+s15], $0x40, s8, s15, $0xb8;
	[tilespmem:$0x1E000] =	vst v63  }
0x61: {  	_ =	swait.ge [sflag:s31], $0x2000  }
0x62: {  	[sflag:s31] =	ssyncset.done $0x0  }
0x63: {  	s8 =	sadd.s32 $0x280, s11;
	[sflag:s31] =	ssyncadd.s32 $0xFFFFE000  }
0x64: {  	[tilespmem:s17], [sflag:$0x2] =	stream.indirect.gather [hbm4b:s1+s15], $0x40, s8, s15, $0xb8;
	[tilespmem:$0x1E000] =	vst v63  }
0x65: {  	_ =	swait.ge [sflag:s2], $0x2000  }
0x66: {  	[sflag:s2] =	ssyncset.done $0x0  }
0x67: {  	s8 =	sadd.s32 $0x300, s11;
	[sflag:s2] =	ssyncadd.s32 $0xFFFFE000  }
0x68: {  	[tilespmem:s19], [sflag:$0x3] =	stream.indirect.gather [hbm4b:s1+s15], $0x40, s8, s15, $0xb8;
	[tilespmem:$0x1E000] =	vst v63  }
0x69: {  	_ =	swait.ge [sflag:s0], $0x2000  }
0x6a: {  	[sflag:s0] =	ssyncset.done $0x0  }
0x6b: {  	s8 =	sadd.s32 $0x380, s11;
	[sflag:s0] =	ssyncadd.s32 $0xFFFFE000  }
0x6c: {  	[tilespmem:s21], [sflag:$0x4] =	stream.indirect.gather [hbm4b:s1+s15], $0x40, s8, s15, $0xb8;
	[tilespmem:$0x1E000] =	vst v63  }
0x6d: {  	_ =	swait.ge [sflag:s22], $0x2000  }
0x6e: {  	[sflag:s22] =	ssyncset.done $0x0  }
0x6f: {  	s8 =	sadd.s32 $0x1200, s11;
	[sflag:s22] =	ssyncadd.s32 $0xFFFFE000  }
0x70: {  	[spmem:s3] =	stream.indirect.scatter.add.f32 [tilespmem:s16], [sflag:$0x5], $0x40, s8, s15, $0xb8;
	[tilespmem:$0x1E000] =	vst v63  }
0x71: {  	_ =	swait.ge [sflag:s23], $0x2000  }
0x72: {  	[sflag:s23] =	ssyncset.done $0x0  }
0x73: {  	s8 =	sadd.s32 $0x1280, s11;
	[sflag:s23] =	ssyncadd.s32 $0xFFFFE000  }
0x74: {  	[spmem:s3] =	stream.indirect.scatter.add.f32 [tilespmem:s17], [sflag:$0x6], $0x40, s8, s15, $0xb8;
	[tilespmem:$0x1E000] =	vst v63  }
0x75: {  	_ =	swait.ge [sflag:s25], $0x2000  }
0x76: {  	[sflag:s25] =	ssyncset.done $0x0  }
.Ltmp0:
0x77: {  	s8 =	sadd.s32 $0x1300, s11;
	[sflag:s25] =	ssyncadd.s32 $0xFFFFE000;
	(pc) =	sbr.rel @p0 .LBB2_3-.Ltmp0, $4  }
0x78: {  	[spmem:s3] =	stream.indirect.scatter.add.f32 [tilespmem:s19], [sflag:$0x7], $0x40, s8, s15, $0xb8;
	[tilespmem:$0x1E000] =	vst v63  }
0x79: {  	_ =	swait.ge [sflag:s28], $0x2000  }
0x7a: {  	[sflag:s28] =	ssyncset.done $0x0  }
0x7b: {  	s11 =	sadd.s32 $0x1380, s11;
	[sflag:s28] =	ssyncadd.s32 $0xFFFFE000  }
0x7c: {  	[spmem:s3] =	stream.indirect.scatter.add.f32 [tilespmem:s21], [sflag:$0x8], $0x40, s11, s15, $0xb8;
	[tilespmem:$0x1E000] =	vst v63  }
0x7d: {  	_ =	swait.ge [sflag:s30], $0x2000  }
0x7e: {  	[sflag:s30] =	ssyncset.done $0x0  }
0x7f: {  	[sflag:s30] =	ssyncadd.s32 $0xFFFFE000  }
0x80: {  	_ =	swait.ge [sflag:s31], $0x2000  }
0x81: {  	[sflag:s31] =	ssyncset.done $0x0  }
0x82: {  	s7 =	sadd.s32 $0x1, s7;
	[sflag:s31] =	ssyncadd.s32 $0xFFFFE000  }
0x83: {  	p0 =	sne.s32 s7, $0x4;
	_ =	swait.ge [sflag:s2], $0x2000  }
.Ltmp1:
0x84: {  	[sflag:s2] =	ssyncset.done $0x0;
	(pc) =	sbr.rel @p0 .LBB2_2-.Ltmp1, $4  }
0x85: {  	[sflag:s2] =	ssyncadd.s32 $0xFFFFE000  }
0x86: {  	_ =	swait.ge [sflag:s0], $0x2000  }
0x87: {  	[sflag:s0] =	ssyncset.done $0x0  }
0x88: {  	[sflag:s0] =	ssyncadd.s32 $0xFFFFE000  }
0x89: {  	[bflag:$0x0] =	sbarrier.arrive $0xFFFF  }
0x8a: {  	s7 =	rddreg [dreg:$0x5]  }
0x8b: {  	s10 =	rddreg [dreg:$0x7]  }
0x8c: {  	[hbm:s7], [sflag:s12] =	dma.local [spmem:s10], $0x2800  }
0x8d: {  	_ =	swait.ge [sflag:s13], $0x2800  }
0x8e: {  	s8 =	smov.u32 s12;
	s4 =	sadd.s32 $0x1, s4;
	s12 =	rddreg [dreg:$0x6]  }
0x8f: {  	p0 =	sne.s32 s4, s12  }
.Ltmp2:
0x90: {  	_ = 	snop;
	(pc) =	sbr.rel @p0 .LBB2_1-.Ltmp2, $3  }
0x91: {  	_ =	sdelay $0x1  }
0x92: {  	[sflag:s13] =	ssyncset.done $0x0  }
0x93: {  	[sflag:s13] =	ssyncadd.s32 $0xFFFFD800  }
0x94: {  	_ =	sfence.sel $0x180000  }
0x95: {  	[bflag:$0x0] =	sbarrier.arrive $0xFFFF  }
0x96: {  	_ =	strace $0x9000004D  }
0x97: {  	s0 =	stileid.u32;
	[bflag:$0x2] =	sbarrier.arrive $0xFFFF  }
0x98: {  	p0 =	sne.s32 s0, $0x0;
	s0 =	rddreg [dreg:$0x3]  }
0x99: {  	s0 =	sadd.s32 @!p0 $0x100000, s0  }
0x9a: {  	[sflag:s0] =	ssyncadd.tile.s32 @!p0 $0x1;
	_ =	shalt  }
.Lfunc_end2:
_tile_overlayer_lowered:
.L_overlay_start_2:
0x9b: {  	(tag) =	ssettag $0x2  }
0x9c: {  	s0 =	rddreg [dreg:$0x0];
	s2 =	stileid.u32  }
0x9d: {  	s1 =	rddreg [dreg:$0x1];
	p0 =	sne.s32 s2, $0x0  }
0x9e: {  	s3 =	rddreg [dreg:$0x2];
	[bflag:$0x3] =	sbarrier.arrive $0xFFFF;
	s2 =	simm.s32 @!p0 $0x1C09  }
0x9f: {  	[timem:s3], [sflag:s2] =	dma.local @!p0 [hbm:s0], s1  }
0xa0: {  	s0 =	simm.s32 @!p0 $0x9  }
0xa1: {  	_ =	swait.ge @!p0 [sflag:s0], s1  }
0xa2: {  	s1 =	ssub.s32 @!p0 $0x0, s1;
	[sflag:s0] =	ssyncset.done @!p0 $0x0  }
0xa3: {  	[sflag:s0] =	ssyncadd.s32 @!p0 s1  }
0xa4: {  	[bflag:$0x3] =	sbarrier.arrive $0xFFFF  }
0xa5: {  	_ =	shalt  }

// kernel: kernel.8.cloned.1.call-start
scs
__scs_entry_jumppad:
0x0: {  	(pc) =	sbr.rel $0x88, $3  }
0x1: {  	(tag) =	ssettag $0x0;
	lr =	simm.s32 $0x1  }
0x2: {  	[smem:$0x3F95] =	sst lr;
	_ =	strace $0xD0000000  }
0x3: {  	_ = 	snop  }
0x4: {  	_ = 	snop  }
0x5: {  	_ = 	snop  }
0x6: {  	_ = 	snop  }
0x7: {  	_ = 	snop  }
__scs_overlays_trampoline_lowered:
0x8: {  	[smem:$0x3FA4] =	sst s0  }
0x9: {  	[smem:$0x3FA5] =	sst s1  }
0xa: {  	[smem:$0x3FA6] =	sst s2  }
0xb: {  	[smem:$0x3FA7] =	sst s3  }
0xc: {  	[smem:$0x3FA8] =	sst s4  }
0xd: {  	[smem:$0x3FA9] =	sst s5  }
0xe: {  	[smem:$0x3FAA] =	sst s6  }
0xf: {  	[smem:$0x3FAB] =	sst s7  }
0x10: {  	[smem:$0x3FAC] =	sst s8  }
0x11: {  	[smem:$0x3FAD] =	sst s9;
	s0 =	simm.s32 @!p0 $0x0  }
0x12: {  	s1 =	sld [smem:$0x3F93];
	s0 =	simm.s32 @p0 $0x1  }
0x13: {  	[smem:$0x3FAE] =	sst s0;
	s0 =	simm.s32 @!p1 $0x0  }
0x14: {  	s2 =	sld [smem:$0x3F92];
	s0 =	simm.s32 @p1 $0x1  }
0x15: {  	[smem:$0x3FAF] =	sst s0;
	s0 =	simm.s32 @!p2 $0x0  }
0x16: {  	s3 =	sld [smem:$0x3FDB];
	s0 =	simm.s32 @p2 $0x1  }
0x17: {  	s4 =	simm.s32 $0x1BF5;
	[smem:$0x3FB1] =	sst s0  }
0x18: {  	s0 =	sld [smem:$0x3F94];
	_ =	swait.ge [sflag:s4], $0x0  }
0x19: {  	s7 =	sld [smem:$0x3F95]  }
0x1a: {  	s8 =	sadd.s32 $0xFFFFE003, lr  }
0x1b: {  	s9 =	sadd.s32 $0xFFFFFEF7, lr;
	s5 =	simm.s32 $0xFFFFFFFF;
	p2 =	slt.u32 s8, $0xFFFFF086  }
0x1c: {  	p1 =	slt.u32 s9, $0xF7A;
	s5 =	simm.s32 @!p2 $0x0  }
0x1d: {  	s5 =	simm.s32 @p1 $0x1;
	p0 =	seq.s32 s7, s2  }
0x1e: {  	s7 =	smul.u32 @!p0 $0xF7A, s2;
	p2 =	seq.s32 @!p0 s5, $0x0  }
0x1f: {  	s9 =	smul.u32 $0xF7A, s1;
	s8 =	simm.s32 @!p0 $0x1BF5;
	p2 =	por !p2, p0  }
0x20: {  	[sflag:s8] =	ssyncset.s32 @!p0 $0xFFFFF086;
	s6 =	sadd.s32 @!p0 s3, s7;
	s7 =	simm.s32 @!p0 $0x108  }
0x21: {  	s3 =	sadd.s32 s3, s9;
	s6 =	sadd.s32 @!p0 $0x88, s6;
	s7 =	simm.s32 @p2 $0x1082  }
0x22: {  	[simem:s7], [sflag:s8] =	dma.local @!p0 [hbm:s6], $0xF7A  }
0x23: {  	s9 =	sor.u32 $0xD0000000, s2;
	s6 =	simm.s32 $0x108;
	_ =	swait.ge @!p0 [sflag:s8], $0x0  }
0x24: {  	s3 =	sadd.s32 $0x88, s3;
	s6 =	simm.s32 @!p1 $0x1082;
	[sflag:s4] =	ssyncset.s32 $0xFFFFF086  }
0x25: {  	[simem:s6], [sflag:s4] =	dma.local [hbm:s3], $0xF7A  }
0x26: {  	[smem:$0x3F95] =	sst s1;
	(tag) =	ssettag s2;
	_ =	strace s9  }
0x27: {  	s1 =	sld [smem:$0x3FA5]  }
0x28: {  	s2 =	sld [smem:$0x3FA6]  }
0x29: {  	s4 =	sld [smem:$0x3FA8]  }
0x2a: {  	p0 =	seq.s32 s5, $0x0;
	s5 =	sld [smem:$0x3FA9]  }
0x2b: {  	s6 =	sld [smem:$0x3FAA]  }
0x2c: {  	s7 =	sld [smem:$0x3FAB]  }
0x2d: {  	s3 =	simm.s32 $0x108;
	s8 =	sld [smem:$0x3FAC]  }
0x2e: {  	s3 =	simm.s32 @!p0 $0x1082;
	s9 =	sld [smem:$0x3FAD]  }
0x2f: {  	lr =	sadd.s32 s0, s3;
	s0 =	sld [smem:$0x3FA4]  }
0x30: {  	s3 =	sld [smem:$0x3FA7]  }
0x31: {  	[smem:$0x3FB0] =	sst s10  }
0x32: {  	s10 =	sld [smem:$0x3FAE];
	_ =	sdelay $0x3  }
0x33: {  	p0 =	seq.s32 s10, $0x1;
	s10 =	sld [smem:$0x3FB0];
	_ =	sdelay $0x3  }
0x34: {  	[smem:$0x3FB0] =	sst s10  }
0x35: {  	s10 =	sld [smem:$0x3FAF];
	_ =	sdelay $0x3  }
0x36: {  	p1 =	seq.s32 s10, $0x1;
	s10 =	sld [smem:$0x3FB0];
	_ =	sdelay $0x3  }
0x37: {  	[smem:$0x3FB0] =	sst s10  }
0x38: {  	s10 =	sld [smem:$0x3FB1]  }
0x39: {  	_ = 	snop;
	(pc) =	sbr.ind lr, $3  }
0x3a: {  	_ = 	snop  }
0x3b: {  	_ = 	snop  }
0x3c: {  	p2 =	seq.s32 s10, $0x1;
	s10 =	sld [smem:$0x3FB0]  }
0x3d: {  	_ =	shalt  }
0x3e: {  	_ =	shalt  }
0x3f: {  	_ =	shalt  }
0x40: {  	_ =	shalt  }
0x41: {  	_ =	shalt  }
0x42: {  	_ =	shalt  }
0x43: {  	_ =	shalt  }
0x44: {  	_ =	shalt  }
0x45: {  	_ =	shalt  }
0x46: {  	_ =	shalt  }
0x47: {  	_ =	shalt  }
0x48: {  	_ =	shalt  }
0x49: {  	_ =	shalt  }
0x4a: {  	_ =	shalt  }
0x4b: {  	_ =	shalt  }
0x4c: {  	_ =	shalt  }
0x4d: {  	_ =	shalt  }
0x4e: {  	_ =	shalt  }
0x4f: {  	_ =	shalt  }
0x50: {  	_ =	shalt  }
0x51: {  	_ =	shalt  }
0x52: {  	_ =	shalt  }
0x53: {  	_ =	shalt  }
0x54: {  	_ =	shalt  }
0x55: {  	_ =	shalt  }
0x56: {  	_ =	shalt  }
0x57: {  	_ =	shalt  }
0x58: {  	_ =	shalt  }
0x59: {  	_ =	shalt  }
0x5a: {  	_ =	shalt  }
0x5b: {  	_ =	shalt  }
0x5c: {  	_ =	shalt  }
0x5d: {  	_ =	shalt  }
0x5e: {  	_ =	shalt  }
0x5f: {  	_ =	shalt  }
0x60: {  	_ =	shalt  }
0x61: {  	_ =	shalt  }
0x62: {  	_ =	shalt  }
0x63: {  	_ =	shalt  }
0x64: {  	_ =	shalt  }
0x65: {  	_ =	shalt  }
0x66: {  	_ =	shalt  }
0x67: {  	_ =	shalt  }
0x68: {  	_ =	shalt  }
0x69: {  	_ =	shalt  }
0x6a: {  	_ =	shalt  }
0x6b: {  	_ =	shalt  }
0x6c: {  	_ =	shalt  }
0x6d: {  	_ =	shalt  }
0x6e: {  	_ =	shalt  }
0x6f: {  	_ =	shalt  }
0x70: {  	_ =	shalt  }
0x71: {  	_ =	shalt  }
0x72: {  	_ =	shalt  }
0x73: {  	_ =	shalt  }
0x74: {  	_ =	shalt  }
0x75: {  	_ =	shalt  }
0x76: {  	_ =	shalt  }
0x77: {  	_ =	shalt  }
0x78: {  	_ =	shalt  }
0x79: {  	_ =	shalt  }
0x7a: {  	_ =	shalt  }
0x7b: {  	_ =	shalt  }
0x7c: {  	_ =	shalt  }
0x7d: {  	_ =	shalt  }
0x7e: {  	_ =	shalt  }
0x7f: {  	_ =	shalt  }
0x80: {  	_ =	shalt  }
0x81: {  	_ =	shalt  }
0x82: {  	_ =	shalt  }
0x83: {  	_ =	shalt  }
0x84: {  	_ =	shalt  }
0x85: {  	_ =	shalt  }
0x86: {  	_ =	shalt  }
0x87: {  	_ =	shalt  }
.Lfunc_end0:
.L_simem_size_0:
called_computation_lowered:
.L_overlay_start_0:
0x88: {  	s2 =	sld [smem:$0x3FD9]  }
0x89: {  	s3 =	sld [smem:$0x3FFE];
	_ =	sdelay $0x1  }
0x8a: {  	s1 =	srdreg.scid  }
0x8b: {  	s0 =	sand.u32 $0x1, s1  }
0x8c: {  	s17 =	sshll.u32 s0, $0xA;
	s2 =	sadd.s32 s3, s2  }
0x8d: {  	s2 =	sadd.s32 s2, s17  }
0x8e: {  	[smem:$0x3FBC] =	sst s2  }
0x8f: {  	_ = 	snop  }
0x90: {  	s2 =	sld [smem:$0x3FD0];
	(tm) =	ssettm $0x1  }
0x91: {  	s18 =	sld [smem:$0x3FFB];
	_ =	sdelay $0x3  }
0x92: {  	_ =	strace s18  }
0x93: {  	s3 =	sld [smem:$0x3FFC];
	_ =	sdelay $0x3  }
0x94: {  	_ =	strace s3  }
0x95: {  	s3 =	sld [smem:$0x3FFD];
	_ =	sdelay $0x3  }
0x96: {  	_ =	strace s3  }
0x97: {  	_ =	strace $0x8FFFFFFF  }
0x98: {  	s19 =	sld [smem:$0x3FDB];
	_ =	sdelay $0x1  }
0x99: {  	s4 =	simm.s32 $_scs_section_size  }
0x9a: {  	s5 =	simm.s32 $_size__tile_overlayer_lowered;
	s6 =	simm.s32 $_tile_overlayer_lowered  }
0x9b: {  	s22 =	simm.s32 $0x1BFF;
	s21 =	sshll.u32 s6, $0x1;
	s3 =	sadd.s32 s4, s19  }
0x9c: {  	s7 =	simm.s32 $0x0;
	s20 =	sshll.u32 s5, $0x1;
	s5 =	sadd.s32 s21, s3  }
0x9d: {  	[timem:s7], [sflag:s22] =	dma.local [hbm:s5], s20  }
0x9e: {  	_ =	swait.ge [sflag:s22], s20  }
0x9f: {  	s4 =	ssub.s32 $0x0, s20;
	[sflag:s22] =	ssyncset.done $0x0  }
0xa0: {  	[sflag:s22] =	ssyncadd.s32 s4;
	_ =	sdelay $0x1  }
0xa1: {  	s23 =	simm.s32 $0x1B8B  }
0xa2: {  	_ =	swait.ge [sflag:s23], $0x1  }
0xa3: {  	[sflag:s23] =	ssyncset.done $0x0  }
0xa4: {  	s25 =	simm.s32 $0x1B8E;
	s24 =	sld [smem:$0x3FFE];
	[sflag:s23] =	ssyncadd.s32 $0xFFFFFFFF  }
0xa5: {  	s26 =	simm.s32 $execute0_lowered;
	[smem:$0x3FD2] =	sst s25  }
0xa6: {  	s5 =	sshll.u32 s26, $0x1;
	_ =	strace $0x80000046;
	[dreg:$0x1] =	wrdreg $0xFFFFFFFF  }
0xa7: {  	s28 =	simm.s32 $_size_execute0_lowered;
	s3 =	sadd.s32 s3, s5;
	[dreg:$0x0] =	wrdreg $0x0  }
0xa8: {  	s5 =	sshll.u32 s28, $0x1;
	[dreg:$0x2] =	wrdreg s3  }
0xa9: {  	[dreg:$0x3] =	wrdreg s5  }
0xaa: {  	[dreg:$0x4] =	wrdreg $0xC0  }
0xab: {  	_ =	task [dreg:s7], $0x5FFFF  }
0xac: {  	[dreg:$0x1] =	wrdreg $0xFFFFFFFF  }
0xad: {  	[dreg:$0x0] =	wrdreg $0x60  }
0xae: {  	[dreg:$0x2] =	wrdreg s24  }
0xaf: {  	[dreg:$0x3] =	wrdreg s2  }
0xb0: {  	[dreg:$0x4] =	wrdreg $0x50000  }
0xb1: {  	[dreg:$0x5] =	wrdreg $0x9  }
0xb2: {  	_ =	task.clear_ibuf [dreg:s7], $0x6FFFF;
	_ =	strace $0x90000046  }
0xb3: {  	s29 =	simm.s32 $0x9;
	_ =	strace $0x80000048  }
0xb4: {  	_ =	swait.ge [sflag:s29], $0x1  }
0xb5: {  	[sflag:s29] =	ssyncadd.s32 $0xFFFFFFFF  }
0xb6: {  	_ =	strace $0x90000048  }
0xb7: {  	_ =	sfence  }
0xb8: {  	s30 =	sld [smem:$0x0];
	_ =	sdelay $0x2  }
0xb9: {  	s31 =	sshll.u32 s1, $0xD;
	s1 =	sshrl.u32 s1, $0x2  }
0xba: {  	s3 =	sand.u32 $0x4000, s31;
	s1 =	sadd.s32 s1, s30  }
0xbb: {  	s0 =	sor.u32 s3, s0;
	s1 =	sshll.u32 s1, $0x11  }
0xbc: {  	s0 =	sor.u32 s1, s0  }
0xbd: {  	s0 =	sadd.s32 $0x8F2B, s0  }
0xbe: {  	[sflag:s0] =	ssyncadd.remote.s32 $0x1  }
0xbf: {  	_ =	sfence.sel $0xFFFF  }
0xc0: {  	[dreg:$0x0] =	wrdreg $0xFFFFFFFF;
	(pc) =	sbr.abs _section_cstart, $3  }
0xc1: {  	[dreg:$0x1] =	wrdreg $0xFFFFFFFF  }
0xc2: {  	_ =	task.clear_ibuf [dreg:s7], $0x2FFFF;
	_ =	strace $0x9FFFFFFF  }
0xc3: {  	(tm) =	ssettm $0x7FFFFFFF  }
tec
execute0_lowered:
.L_overlay_start_1:
0x0: {  	(tag) =	ssettag $0x1  }
0x1: {  	s4 =	rddreg [dreg:$0x0]  }
0x2: {  	s15 =	rddreg [dreg:$0x1]  }
0x3: {  	s2 =	rddreg [dreg:$0x2]  }
0x4: {  	s0 =	rddreg [dreg:$0x3]  }
0x5: {  	s3 =	simm.s32 $0x0;
	s1 =	stileid.u32;
	s5 =	srdreg.scid  }
0x6: {  	[smem:$0x7FF] =	sst s3;
	s13 =	sand.u32 $0x1, s5;
	s30 =	smul.u32 $0x14000, s1  }
0x7: {  	s6 =	sshll.u32 s1, $0xB;
	s14 =	smul.u32 $0x5000, s1;
	s21 =	sshll.u32 s1, $0x6  }
0x8: {  	_ =	strace $0x80000047;
	s7 =	ssub.s32 $0x2, s13;
	s16 =	sadd.s32 s6, s4  }
0x9: {  	s19 =	smul.u32 $0x50000, s13;
	s20 =	sshll.u32 s13, $0xF;
	s21 =	sor.u32 $0x1C02, s21  }
0xa: {  	s8 =	sshrl.u32 s7, $0x1;
	s5 =	sshrl.u32 s30, $0x2;
	s4 =	sadd.s32 s14, s2  }
0xb: {  	s16 =	sadd.s32 s20, s16;
	s20 =	simm.s32 $0x1;
	s17 =	ssub.s32 s7, s8  }
0xc: {  	s18 =	sadd.s32 s5, s2;
	s14 =	sadd.s32 s14, s19;
	s19 =	simm.s32 $0x4000  }
0xd: {  	s5 =	sadd.s32 $0x800, s18;
	s6 =	sadd.s32 $0x1000, s18;
	s7 =	sadd.s32 $0x1800, s18  }
0xe: {  	s8 =	sadd.s32 $0x2000, s18;
	s9 =	sadd.s32 $0x2800, s18;
	s10 =	sadd.s32 $0x3000, s18  }
0xf: {  	s11 =	sadd.s32 $0x3800, s18;
	s12 =	sadd.s32 $0x4000, s18;
	s13 =	sadd.s32 $0x4800, s18  }
0x10: {  	s31 =	sshrl.u32 s14, $0x3;
	s14 =	sadd.s32 $0x13400, s16;
	s16 =	smax.u32 s17, $0x1  }
0x11: {  	v0 =	vimm.f32 $1.000000000e+00;
	v1 =	vimm.f32 $0.0e+00;
	s17 =	simm.s32 $0x4800;
	s18 =	simm.s32 $0x2;
	s15 =	sadd.s32 s15, s31  }
.LBB2_1:
0x12: {  	s22 =	simm.s32 $0x40;
	s23 =	simm.s32 $0x0  }
.LBB2_2:
0x13: {  	p0 =	sne.s32 s22, $0x1FC0;
	[tilespmem:s23+$0x4000] =	vst v0;
	s24 =	smov.u32 s22;
	s22 =	sadd.s32 $0x40, s22  }
.Ltmp0:
0x14: {  	[tilespmem:s23+$0x4800] =	vst v1;
	(pc) =	sbr.rel @p0 .LBB2_2-.Ltmp0, $2  }
0x15: {  	_ =	sdelay $0x2  }
0x16: {  	s23 =	sshra.s32 s24, $0x2  }
0x17: {  	[tilespmem:s23+$0x4000] =	vst v0  }
0x18: {  	[tilespmem:s23+$0x4800] =	vst v1  }
0x19: {  	[spmem:s4] =	stream.linear.scatter [tilespmem:s17], [sflag:$0x2], $0x800, $0x38;
	[tilespmem:$0xA000] =	vst v63  }
0x1a: {  	_ =	swait.ge [sflag:s18], $0x800  }
0x1b: {  	[sflag:s18] =	ssyncset.done $0x0  }
0x1c: {  	[sflag:s18] =	ssyncadd.s32 $0xFFFFF800  }
0x1d: {  	[spmem:s5] =	stream.linear.scatter [tilespmem:s17], [sflag:$0x2], $0x800, $0x38;
	[tilespmem:$0xA000] =	vst v63  }
0x1e: {  	_ =	swait.ge [sflag:s18], $0x800  }
0x1f: {  	[sflag:s18] =	ssyncset.done $0x0  }
0x20: {  	[sflag:s18] =	ssyncadd.s32 $0xFFFFF800  }
0x21: {  	[spmem:s6] =	stream.linear.scatter [tilespmem:s17], [sflag:$0x2], $0x800, $0x38;
	[tilespmem:$0xA000] =	vst v63  }
0x22: {  	_ =	swait.ge [sflag:s18], $0x800  }
0x23: {  	[sflag:s18] =	ssyncset.done $0x0  }
0x24: {  	[sflag:s18] =	ssyncadd.s32 $0xFFFFF800  }
0x25: {  	[spmem:s7] =	stream.linear.scatter [tilespmem:s17], [sflag:$0x2], $0x800, $0x38;
	[tilespmem:$0xA000] =	vst v63  }
0x26: {  	_ =	swait.ge [sflag:s18], $0x800  }
0x27: {  	[sflag:s18] =	ssyncset.done $0x0  }
0x28: {  	[sflag:s18] =	ssyncadd.s32 $0xFFFFF800  }
0x29: {  	[spmem:s8] =	stream.linear.scatter [tilespmem:s17], [sflag:$0x2], $0x800, $0x38;
	[tilespmem:$0xA000] =	vst v63  }
0x2a: {  	_ =	swait.ge [sflag:s18], $0x800  }
0x2b: {  	[sflag:s18] =	ssyncset.done $0x0  }
0x2c: {  	[sflag:s18] =	ssyncadd.s32 $0xFFFFF800  }
0x2d: {  	[spmem:s9] =	stream.linear.scatter [tilespmem:s17], [sflag:$0x2], $0x800, $0x38;
	[tilespmem:$0xA000] =	vst v63  }
0x2e: {  	_ =	swait.ge [sflag:s18], $0x800  }
0x2f: {  	[sflag:s18] =	ssyncset.done $0x0  }
0x30: {  	[sflag:s18] =	ssyncadd.s32 $0xFFFFF800  }
0x31: {  	[spmem:s10] =	stream.linear.scatter [tilespmem:s17], [sflag:$0x2], $0x800, $0x38;
	[tilespmem:$0xA000] =	vst v63  }
0x32: {  	_ =	swait.ge [sflag:s18], $0x800  }
0x33: {  	[sflag:s18] =	ssyncset.done $0x0  }
0x34: {  	[sflag:s18] =	ssyncadd.s32 $0xFFFFF800  }
0x35: {  	[spmem:s11] =	stream.linear.scatter [tilespmem:s17], [sflag:$0x2], $0x800, $0x38;
	[tilespmem:$0xA000] =	vst v63  }
0x36: {  	_ =	swait.ge [sflag:s18], $0x800  }
0x37: {  	[sflag:s18] =	ssyncset.done $0x0  }
0x38: {  	[sflag:s18] =	ssyncadd.s32 $0xFFFFF800  }
0x39: {  	[spmem:s12] =	stream.linear.scatter [tilespmem:s17], [sflag:$0x2], $0x800, $0x38;
	[tilespmem:$0xA000] =	vst v63  }
0x3a: {  	_ =	swait.ge [sflag:s18], $0x800  }
0x3b: {  	[sflag:s18] =	ssyncset.done $0x0  }
0x3c: {  	[sflag:s18] =	ssyncadd.s32 $0xFFFFF800  }
0x3d: {  	[spmem:s13] =	stream.linear.scatter [tilespmem:s17], [sflag:$0x2], $0x800, $0x38;
	[tilespmem:$0xA000] =	vst v63  }
0x3e: {  	_ =	swait.ge [sflag:s18], $0x800  }
0x3f: {  	[sflag:s18] =	ssyncset.done $0x0  }
0x40: {  	[sflag:s18] =	ssyncadd.s32 $0xFFFFF800  }
0x41: {  	s22 =	simm.s32 $0x0;
	[bflag:$0x0] =	sbarrier.arrive $0xFFFF  }
0x42: {  	[tilespmem:s22], [sflag:$0x2] =	stream.linear.gather [hbm4b:s14+s22], $0x4000, $0x38;
	[tilespmem:$0xA000] =	vst v63  }
0x43: {  	_ =	swait.ge [sflag:s18], $0x4000  }
0x44: {  	s24 =	simm.s32 $0x0;
	[sflag:s18] =	ssyncset.done $0x0  }
0x45: {  	s23 =	simm.s32 $0x80;
	s22 =	simm.s32 $0x200;
	[sflag:s18] =	ssyncadd.s32 $0xFFFFC000  }
.LBB2_4:
0x46: {  	[spmem:s2] =	stream.indirect.scatter.add.f32 [tilespmem:s19], [sflag:$0x1], $0x10, s24, s23, $0xb8;
	[tilespmem:$0xA000] =	vst v63  }
0x47: {  	s24 =	smov.u32 s22;
	p0 =	sne.s32 s22, $0xFE00  }
.Ltmp1:
0x48: {  	s22 =	sadd.s32 $0x200, s22;
	(pc) =	sbr.rel @p0 .LBB2_4-.Ltmp1, $2  }
0x49: {  	_ =	sdelay $0x2  }
0x4a: {  	s24 =	sshra.s32 s24, $0x2  }
0x4b: {  	[spmem:s2] =	stream.indirect.scatter.add.f32 [tilespmem:s19], [sflag:$0x1], $0x10, s24, s23, $0xb8;
	[tilespmem:$0xA000] =	vst v63  }
0x4c: {  	_ =	swait.ge [sflag:s20], $0x800  }
0x4d: {  	s22 =	simm.s32 $0x7F;
	[sflag:s20] =	ssyncset.done $0x0  }
.LBB2_6:
0x4e: {  	p0 =	sne.s32 s22, $0x1;
	s22 =	sadd.s32 $0xFFFFFFFF, s22;
	[sflag:s20] =	ssyncadd.s32 $0xFFFFF800  }
.Ltmp2:
0x4f: {  	(pc) =	sbr.rel @p0 .LBB2_6-.Ltmp2, $3  }
0x50: {  	_ =	sdelay $0x1  }
0x51: {  	_ =	swait.ge [sflag:s20], $0x800  }
0x52: {  	[sflag:s20] =	ssyncset.done $0x0  }
0x53: {  	s3 =	sadd.s32 $0x1, s3  }
0x54: {  	[sflag:s20] =	ssyncadd.s32 $0xFFFFF800;
	p0 =	sne.s32 s3, s16  }
.Ltmp3:
0x55: {  	s22 =	sshrl.u32 s4, $0x3;
	[bflag:$0x0] =	sbarrier.arrive $0xFFFF;
	(pc) =	sbr.rel @p0 .LBB2_1-.Ltmp3, $4  }
0x56: {  	[hbm:s15], [sflag:s21] =	dma.local [spmem:s22], $0xA00  }
0x57: {  	_ =	swait.ge [sflag:s18], $0xA00  }
0x58: {  	[sflag:s18] =	ssyncset.done $0x0  }
0x59: {  	[sflag:s18] =	ssyncadd.s32 $0xFFFFF600  }
0x5a: {  	_ =	sfence.sel $0x180000  }
0x5b: {  	[bflag:$0x0] =	sbarrier.arrive $0xFFFF  }
0x5c: {  	p0 =	sne.s32 s1, $0x0;
	_ =	strace $0x90000047  }
0x5d: {  	s0 =	sadd.s32 @!p0 $0x100000, s0;
	[bflag:$0x2] =	sbarrier.arrive $0xFFFF  }
0x5e: {  	[sflag:s0] =	ssyncadd.tile.s32 @!p0 $0x1;
	_ =	shalt  }
.Lfunc_end2:
_tile_overlayer_lowered:
.L_overlay_start_2:
0x5f: {  	(tag) =	ssettag $0x2  }
0x60: {  	s0 =	rddreg [dreg:$0x0];
	s2 =	stileid.u32  }
0x61: {  	s1 =	rddreg [dreg:$0x1];
	p0 =	sne.s32 s2, $0x0  }
0x62: {  	s3 =	rddreg [dreg:$0x2];
	[bflag:$0x3] =	sbarrier.arrive $0xFFFF;
	s2 =	simm.s32 @!p0 $0x1C02  }
0x63: {  	[timem:s3], [sflag:s2] =	dma.local @!p0 [hbm:s0], s1  }
0x64: {  	s0 =	simm.s32 @!p0 $0x2  }
0x65: {  	_ =	swait.ge @!p0 [sflag:s0], s1  }
0x66: {  	s1 =	ssub.s32 @!p0 $0x0, s1;
	[sflag:s0] =	ssyncset.done @!p0 $0x0  }
0x67: {  	[sflag:s0] =	ssyncadd.s32 @!p0 s1  }
0x68: {  	[bflag:$0x3] =	sbarrier.arrive $0xFFFF  }
0x69: {  	_ =	shalt  }

</sc_bundles>
